<compile_context>
chip_gen: v7x
topology: tpu7x:2x2x1
jax: 0.10.2.dev20260603
libtpu: 0.0.44.dev20260713+nightly
codegen_flags: <defaults>
</compile_context>

<pallas_src>
import functools

import jax
import jax.numpy as jnp
from jax import lax
from jax.experimental import pallas as pl
from jax.experimental.pallas import tpu as pltpu
from jax.experimental.pallas import tpu_sc as plsc

B = 16
C = 3
N = 4096
L = 16
CHUNKS = N // L


def _fps_body(in_hbm, out_hbm, x_ref, y_ref, z_ref, d_ref, ox_ref, oy_ref, oz_ref):
    cid = lax.axis_index("c")
    sid = lax.axis_index("s")

    @pl.when(sid < B // 2)
    def _run():
        b = cid * (B // 2) + sid
        base = b * (C * N)

        pltpu.sync_copy(in_hbm.at[pl.ds(base + 0 * N, N)], x_ref)
        pltpu.sync_copy(in_hbm.at[pl.ds(base + 1 * N, N)], y_ref)
        pltpu.sync_copy(in_hbm.at[pl.ds(base + 2 * N, N)], z_ref)

        lanes = lax.iota(jnp.int32, L)
        lane0 = lanes == 0
        big = jnp.full((L,), 1e10, jnp.float32)

        def init_body(c, carry):
            d_ref[pl.ds(c * L, L)] = big
            return carry

        lax.fori_loop(0, CHUNKS, init_body, 0, unroll=8)

        def step(s, bestv):
            cxv = plsc.load_gather(x_ref, [bestv])
            cyv = plsc.load_gather(y_ref, [bestv])
            czv = plsc.load_gather(z_ref, [bestv])
            sv = jnp.full((L,), s, jnp.int32)
            plsc.store_scatter(ox_ref, [sv], cxv, mask=lane0)
            plsc.store_scatter(oy_ref, [sv], cyv, mask=lane0)
            plsc.store_scatter(oz_ref, [sv], czv, mask=lane0)

            neg1 = jnp.full((L,), -1.0, jnp.float32)
            zeroi = jnp.zeros((L,), jnp.int32)

            @plsc.parallel_loop(0, N, step=L, unroll=16, carry=(neg1, zeroi))
            def chunk(off, carry):
                maxv, maxi = carry
                xv = x_ref[pl.ds(off, L)]
                yv = y_ref[pl.ds(off, L)]
                zv = z_ref[pl.ds(off, L)]
                dx = xv - cxv
                dy = yv - cyv
                dz = zv - czv
                dd = (dx * dx + dz * dz) + dy * dy
                nd = jnp.minimum(d_ref[pl.ds(off, L)], dd)
                d_ref[pl.ds(off, L)] = nd
                idxv = off + lanes
                better = (nd > maxv) | ((nd == maxv) & (idxv < maxi))
                maxv = jnp.where(better, nd, maxv)
                maxi = jnp.where(better, idxv, maxi)
                return maxv, maxi

            maxv, maxi = chunk

            m = jnp.max(maxv)
            cand = jnp.where(maxv == m, maxi, jnp.int32(2**31 - 1))
            best = jnp.min(cand)
            return jnp.full((L,), best, jnp.int32)

        lax.fori_loop(0, N, step, jnp.zeros((L,), jnp.int32))

        pltpu.sync_copy(ox_ref, out_hbm.at[pl.ds(base + 0 * N, N)])
        pltpu.sync_copy(oy_ref, out_hbm.at[pl.ds(base + 1 * N, N)])
        pltpu.sync_copy(oz_ref, out_hbm.at[pl.ds(base + 2 * N, N)])


@jax.jit
def _fps(x):
    mesh = plsc.VectorSubcoreMesh(core_axis_name="c", subcore_axis_name="s", num_cores=2, num_subcores=16)
    f = functools.partial(
        pl.kernel,
        out_type=jax.ShapeDtypeStruct((B * C * N,), jnp.float32),
        mesh=mesh,
        scratch_types=[
            pltpu.VMEM((N,), jnp.float32),
            pltpu.VMEM((N,), jnp.float32),
            pltpu.VMEM((N,), jnp.float32),
            pltpu.VMEM((N,), jnp.float32),
            pltpu.VMEM((N,), jnp.float32),
            pltpu.VMEM((N,), jnp.float32),
            pltpu.VMEM((N,), jnp.float32),
        ],
        name="fps_sc",
        compiler_params=pltpu.CompilerParams(needs_layout_passes=False),
    )(_fps_body)
    return f(x.reshape(-1)).reshape(B, C, N)


def kernel(input):
    return _fps(input)

# --- scband reference (transcript-rebuilt; emitter-appended) ---
"""Pipeline reference for scband-op-83468394430932 (READ-ONLY COPY).

The authoritative reference and input builder live on the scoring server;
editing this copy changes nothing except your own understanding.
"""

import jax, jax.numpy as jnp
import numpy as np


def furthest_point_sample(xyz, npoint):
    # xyz: [B, N, 3] float32 -> idx: [B, npoint] int32
    B, N, _ = xyz.shape

    def body(i, state):
        idx, dists, farthest = state
        idx = idx.at[:, i].set(farthest)
        centroid = jnp.take_along_axis(xyz, farthest[:, None, None], axis=1)  # [B,1,3]
        d = jnp.sum((xyz - centroid) ** 2, axis=-1)  # [B,N]
        dists = jnp.minimum(dists, d)
        farthest = jnp.argmax(dists, axis=-1).astype(jnp.int32)
        return (idx, dists, farthest)

    idx0 = jnp.zeros((B, npoint), dtype=jnp.int32)
    dists0 = jnp.full((B, N), 1e10, dtype=jnp.float32)
    farthest0 = jnp.zeros((B,), dtype=jnp.int32)
    idx, _, _ = jax.lax.fori_loop(0, npoint, body, (idx0, dists0, farthest0))
    return idx


def gather_points(points, idx):
    # points: [B, C, N], idx: [B, S] -> [B, C, S]
    B, C, N = points.shape
    S = idx.shape[1]
    idx_b = jnp.broadcast_to(idx[:, None, :], (B, C, S))
    return jnp.take_along_axis(points, idx_b, axis=2)


def setup_inputs(seed: int = 0) -> dict:
    key = jax.random.key(seed)
    pcd = jax.random.normal(key, (16, 3, 4096), dtype=jnp.float32)
    return {"input": pcd}


def reference(input) -> jnp.ndarray:
    # OP mode == 'fps': input has shape [B, 3, N] -> branch input.shape[1] == 3,
    # sample npoint = input.shape[2] points via furthest point sampling,
    # then gather the sampled coordinates.
    x = input
    npoint = x.shape[2]
    xyz = jnp.transpose(x, (0, 2, 1))  # [B, N, 3], matches .transpose(1, 2).contiguous()
    idx = furthest_point_sample(xyz, npoint)
    return gather_points(x, idx)

if __name__ == "__main__":
    import jax
    _d = setup_inputs()
    print(jax.jit(kernel)(*tuple(_d.values())))

</pallas_src>

<mosaic_0001>
#map = affine_map<(d0, d1) -> (0)>
module attributes {stable_mosaic.version = 14 : i64} {
  func.func @fps_sc(%arg0: i32, %arg1: i32, %arg2: memref<196608xf32, #tpu.memory_space<hbm>>, %arg3: memref<196608xf32, #tpu.memory_space<hbm>>, %arg4: memref<4096xf32, #tpu.memory_space<vmem>>, %arg5: memref<4096xf32, #tpu.memory_space<vmem>>, %arg6: memref<4096xf32, #tpu.memory_space<vmem>>, %arg7: memref<4096xf32, #tpu.memory_space<vmem>>, %arg8: memref<4096xf32, #tpu.memory_space<vmem>>, %arg9: memref<4096xf32, #tpu.memory_space<vmem>>, %arg10: memref<4096xf32, #tpu.memory_space<vmem>>) attributes {dimension_semantics = [#tpu.dimension_semantics<core_parallel>, #tpu.dimension_semantics<subcore_parallel>], iteration_bounds = array<i64: 2, 16>, scalar_prefetch = 0 : i64, scratch_operands = 7 : i64, tpu.core_type = #tpu.core_type<sc_vector_subcore>, window_params = [{transform_indices = #map}, {transform_indices = #map}]} {
    %lt3A = arith.constant 8 : i32
    %lt3A_0 = arith.cmpi slt, %arg1, %lt3A : i32
    %convert_element_type3A = arith.extui %lt3A_0 : i1 to i32
    %cond3A = arith.constant 0 : i32
    %cond3A_1 = arith.cmpi ne, %convert_element_type3A, %cond3A : i32
    scf.if %cond3A_1 {
      %mul3A = arith.constant 8 : i32
      %mul3A_2 = arith.muli %arg0, %mul3A : i32
      %add3A = arith.addi %mul3A_2, %arg1 : i32
      %mul3A_3 = arith.constant 12288 : i32
      %mul3A_4 = arith.muli %add3A, %mul3A_3 : i32
      %add3A_5 = arith.constant 0 : i32
      %add3A_6 = arith.addi %mul3A_4, %add3A_5 : i32
      "tpu.region"() ({
        %run_scoped3A = tpu.sem_alloc : memref<!tpu.dma_semaphore, #tpu.memory_space<semaphore_mem>>
        %dma_start3A = tpu.memref_slice %arg2[%add3A_6] : memref<196608xf32, #tpu.memory_space<hbm>> -> memref<4096xf32, #tpu.memory_space<hbm>>
        %dma_start3A_33 = tpu.memref_slice %arg2[%add3A_6] : memref<196608xf32, #tpu.memory_space<hbm>> -> memref<4096xf32, #tpu.memory_space<hbm>>
        tpu.enqueue_dma source(%dma_start3A_33 : memref<4096xf32, #tpu.memory_space<hbm>>) target(%arg4 : memref<4096xf32, #tpu.memory_space<vmem>>) target_semaphore(%run_scoped3A : memref<!tpu.dma_semaphore, #tpu.memory_space<semaphore_mem>>)
        %dma_wait3A = tpu.memref_slice %arg2[%add3A_6] : memref<196608xf32, #tpu.memory_space<hbm>> -> memref<4096xf32, #tpu.memory_space<hbm>>
        %dma_wait3A_34 = tpu.memref_slice %arg2[%add3A_6] : memref<196608xf32, #tpu.memory_space<hbm>> -> memref<4096xf32, #tpu.memory_space<hbm>>
        tpu.wait_dma2 semaphore(%run_scoped3A : memref<!tpu.dma_semaphore, #tpu.memory_space<semaphore_mem>>) src(%dma_wait3A_34 : memref<4096xf32, #tpu.memory_space<hbm>>) dst(%arg4 : memref<4096xf32, #tpu.memory_space<vmem>>)
        tpu.yield
      }) : () -> ()
      %add3A_7 = arith.constant 4096 : i32
      %add3A_8 = arith.addi %mul3A_4, %add3A_7 : i32
      "tpu.region"() ({
        %run_scoped3A = tpu.sem_alloc : memref<!tpu.dma_semaphore, #tpu.memory_space<semaphore_mem>>
        %dma_start3A = tpu.memref_slice %arg2[%add3A_8] : memref<196608xf32, #tpu.memory_space<hbm>> -> memref<4096xf32, #tpu.memory_space<hbm>>
        %dma_start3A_33 = tpu.memref_slice %arg2[%add3A_8] : memref<196608xf32, #tpu.memory_space<hbm>> -> memref<4096xf32, #tpu.memory_space<hbm>>
        tpu.enqueue_dma source(%dma_start3A_33 : memref<4096xf32, #tpu.memory_space<hbm>>) target(%arg5 : memref<4096xf32, #tpu.memory_space<vmem>>) target_semaphore(%run_scoped3A : memref<!tpu.dma_semaphore, #tpu.memory_space<semaphore_mem>>)
        %dma_wait3A = tpu.memref_slice %arg2[%add3A_8] : memref<196608xf32, #tpu.memory_space<hbm>> -> memref<4096xf32, #tpu.memory_space<hbm>>
        %dma_wait3A_34 = tpu.memref_slice %arg2[%add3A_8] : memref<196608xf32, #tpu.memory_space<hbm>> -> memref<4096xf32, #tpu.memory_space<hbm>>
        tpu.wait_dma2 semaphore(%run_scoped3A : memref<!tpu.dma_semaphore, #tpu.memory_space<semaphore_mem>>) src(%dma_wait3A_34 : memref<4096xf32, #tpu.memory_space<hbm>>) dst(%arg5 : memref<4096xf32, #tpu.memory_space<vmem>>)
        tpu.yield
      }) : () -> ()
      %add3A_9 = arith.constant 8192 : i32
      %add3A_10 = arith.addi %mul3A_4, %add3A_9 : i32
      "tpu.region"() ({
        %run_scoped3A = tpu.sem_alloc : memref<!tpu.dma_semaphore, #tpu.memory_space<semaphore_mem>>
        %dma_start3A = tpu.memref_slice %arg2[%add3A_10] : memref<196608xf32, #tpu.memory_space<hbm>> -> memref<4096xf32, #tpu.memory_space<hbm>>
        %dma_start3A_33 = tpu.memref_slice %arg2[%add3A_10] : memref<196608xf32, #tpu.memory_space<hbm>> -> memref<4096xf32, #tpu.memory_space<hbm>>
        tpu.enqueue_dma source(%dma_start3A_33 : memref<4096xf32, #tpu.memory_space<hbm>>) target(%arg6 : memref<4096xf32, #tpu.memory_space<vmem>>) target_semaphore(%run_scoped3A : memref<!tpu.dma_semaphore, #tpu.memory_space<semaphore_mem>>)
        %dma_wait3A = tpu.memref_slice %arg2[%add3A_10] : memref<196608xf32, #tpu.memory_space<hbm>> -> memref<4096xf32, #tpu.memory_space<hbm>>
        %dma_wait3A_34 = tpu.memref_slice %arg2[%add3A_10] : memref<196608xf32, #tpu.memory_space<hbm>> -> memref<4096xf32, #tpu.memory_space<hbm>>
        tpu.wait_dma2 semaphore(%run_scoped3A : memref<!tpu.dma_semaphore, #tpu.memory_space<semaphore_mem>>) src(%dma_wait3A_34 : memref<4096xf32, #tpu.memory_space<hbm>>) dst(%arg6 : memref<4096xf32, #tpu.memory_space<vmem>>)
        tpu.yield
      }) : () -> ()
      %iota3A = tpu.iota {dimensions = array<i32: 0>} : vector<16xi32>
      %eq3A = arith.constant 0 : i32
      %eq3A_11 = vector.broadcast %eq3A : i32 to vector<16xi32>
      %eq3A_12 = arith.cmpi eq, %iota3A, %eq3A_11 : vector<16xi32>
      %broadcast_in_dim3A = arith.constant 1.000000e+10 : f32
      %broadcast_in_dim3A_13 = vector.broadcast %broadcast_in_dim3A : f32 to vector<16xf32>
      %scan3A = arith.constant 0 : i32
      %scan3A_14 = arith.constant 0 : i32
      %scan3A_15 = arith.constant 256 : i32
      %scan3A_16 = arith.addi %scan3A_14, %scan3A_15 : i32
      %scan3A_17 = arith.constant 8 : i32
      scf.for %scan3A_33 = %scan3A_14 to %scan3A_16 step %scan3A_17  : i32 {
        %mul3A_34 = arith.constant 16 : i32
        %mul3A_35 = arith.muli %scan3A_33, %mul3A_34 : i32
        %swap3A = arith.index_cast %mul3A_35 : i32 to index
        %swap3A_36 = tpu.vector_load %arg7[%swap3A] {strides = array<i32>} : memref<4096xf32, #tpu.memory_space<vmem>>, vector<16xf32>,
        tpu.vector_store %arg7[%swap3A], %broadcast_in_dim3A_13 {strides = array<i32>} : memref<4096xf32, #tpu.memory_space<vmem>>, vector<16xf32>,
        %scan3A_37 = arith.constant 1 : i32
        %scan3A_38 = arith.addi %scan3A_33, %scan3A_37 : i32
        %mul3A_39 = arith.constant 16 : i32
        %mul3A_40 = arith.muli %scan3A_38, %mul3A_39 : i32
        %swap3A_41 = arith.index_cast %mul3A_40 : i32 to index
        %swap3A_42 = tpu.vector_load %arg7[%swap3A_41] {strides = array<i32>} : memref<4096xf32, #tpu.memory_space<vmem>>, vector<16xf32>,
        tpu.vector_store %arg7[%swap3A_41], %broadcast_in_dim3A_13 {strides = array<i32>} : memref<4096xf32, #tpu.memory_space<vmem>>, vector<16xf32>,
        %scan3A_43 = arith.constant 2 : i32
        %scan3A_44 = arith.addi %scan3A_33, %scan3A_43 : i32
        %mul3A_45 = arith.constant 16 : i32
        %mul3A_46 = arith.muli %scan3A_44, %mul3A_45 : i32
        %swap3A_47 = arith.index_cast %mul3A_46 : i32 to index
        %swap3A_48 = tpu.vector_load %arg7[%swap3A_47] {strides = array<i32>} : memref<4096xf32, #tpu.memory_space<vmem>>, vector<16xf32>,
        tpu.vector_store %arg7[%swap3A_47], %broadcast_in_dim3A_13 {strides = array<i32>} : memref<4096xf32, #tpu.memory_space<vmem>>, vector<16xf32>,
        %scan3A_49 = arith.constant 3 : i32
        %scan3A_50 = arith.addi %scan3A_33, %scan3A_49 : i32
        %mul3A_51 = arith.constant 16 : i32
        %mul3A_52 = arith.muli %scan3A_50, %mul3A_51 : i32
        %swap3A_53 = arith.index_cast %mul3A_52 : i32 to index
        %swap3A_54 = tpu.vector_load %arg7[%swap3A_53] {strides = array<i32>} : memref<4096xf32, #tpu.memory_space<vmem>>, vector<16xf32>,
        tpu.vector_store %arg7[%swap3A_53], %broadcast_in_dim3A_13 {strides = array<i32>} : memref<4096xf32, #tpu.memory_space<vmem>>, vector<16xf32>,
        %scan3A_55 = arith.constant 4 : i32
        %scan3A_56 = arith.addi %scan3A_33, %scan3A_55 : i32
        %mul3A_57 = arith.constant 16 : i32
        %mul3A_58 = arith.muli %scan3A_56, %mul3A_57 : i32
        %swap3A_59 = arith.index_cast %mul3A_58 : i32 to index
        %swap3A_60 = tpu.vector_load %arg7[%swap3A_59] {strides = array<i32>} : memref<4096xf32, #tpu.memory_space<vmem>>, vector<16xf32>,
        tpu.vector_store %arg7[%swap3A_59], %broadcast_in_dim3A_13 {strides = array<i32>} : memref<4096xf32, #tpu.memory_space<vmem>>, vector<16xf32>,
        %scan3A_61 = arith.constant 5 : i32
        %scan3A_62 = arith.addi %scan3A_33, %scan3A_61 : i32
        %mul3A_63 = arith.constant 16 : i32
        %mul3A_64 = arith.muli %scan3A_62, %mul3A_63 : i32
        %swap3A_65 = arith.index_cast %mul3A_64 : i32 to index
        %swap3A_66 = tpu.vector_load %arg7[%swap3A_65] {strides = array<i32>} : memref<4096xf32, #tpu.memory_space<vmem>>, vector<16xf32>,
        tpu.vector_store %arg7[%swap3A_65], %broadcast_in_dim3A_13 {strides = array<i32>} : memref<4096xf32, #tpu.memory_space<vmem>>, vector<16xf32>,
        %scan3A_67 = arith.constant 6 : i32
        %scan3A_68 = arith.addi %scan3A_33, %scan3A_67 : i32
        %mul3A_69 = arith.constant 16 : i32
        %mul3A_70 = arith.muli %scan3A_68, %mul3A_69 : i32
        %swap3A_71 = arith.index_cast %mul3A_70 : i32 to index
        %swap3A_72 = tpu.vector_load %arg7[%swap3A_71] {strides = array<i32>} : memref<4096xf32, #tpu.memory_space<vmem>>, vector<16xf32>,
        tpu.vector_store %arg7[%swap3A_71], %broadcast_in_dim3A_13 {strides = array<i32>} : memref<4096xf32, #tpu.memory_space<vmem>>, vector<16xf32>,
        %scan3A_73 = arith.constant 7 : i32
        %scan3A_74 = arith.addi %scan3A_33, %scan3A_73 : i32
        %mul3A_75 = arith.constant 16 : i32
        %mul3A_76 = arith.muli %scan3A_74, %mul3A_75 : i32
        %swap3A_77 = arith.index_cast %mul3A_76 : i32 to index
        %swap3A_78 = tpu.vector_load %arg7[%swap3A_77] {strides = array<i32>} : memref<4096xf32, #tpu.memory_space<vmem>>, vector<16xf32>,
        tpu.vector_store %arg7[%swap3A_77], %broadcast_in_dim3A_13 {strides = array<i32>} : memref<4096xf32, #tpu.memory_space<vmem>>, vector<16xf32>,
      }
      %scan3A_18 = arith.constant 256 : i32
      %broadcast_in_dim3A_19 = arith.constant 0 : i32
      %broadcast_in_dim3A_20 = vector.broadcast %broadcast_in_dim3A_19 : i32 to vector<16xi32>
      %scan3A_21 = arith.constant 0 : i32
      %scan3A_22 = arith.constant 4096 : i32
      %scan3A_23 = arith.addi %scan3A_21, %scan3A_22 : i32
      %scan3A_24 = arith.constant 1 : i32
      %scan3A_25 = scf.for %scan3A_33 = %scan3A_21 to %scan3A_23 step %scan3A_24 iter_args(%scan3A_34 = %broadcast_in_dim3A_20) -> (vector<16xi32>)  : i32 {
        %gather3A = tpu.vector_load_idx %arg4[%scan3A_34] : memref<4096xf32, #tpu.memory_space<vmem>>[vector<16xi32>], vector<16xf32>,
        %gather3A_35 = tpu.vector_load_idx %arg5[%scan3A_34] : memref<4096xf32, #tpu.memory_space<vmem>>[vector<16xi32>], vector<16xf32>,
        %gather3A_36 = tpu.vector_load_idx %arg6[%scan3A_34] : memref<4096xf32, #tpu.memory_space<vmem>>[vector<16xi32>], vector<16xf32>,
        %broadcast_in_dim3A_37 = vector.broadcast %scan3A_33 : i32 to vector<16xi32>
        tpu.vector_store_idx %arg8[%broadcast_in_dim3A_37], %gather3A masked %eq3A_12 : memref<4096xf32, #tpu.memory_space<vmem>>[vector<16xi32>], vector<16xf32>, vector<16xi1>
        tpu.vector_store_idx %arg9[%broadcast_in_dim3A_37], %gather3A_35 masked %eq3A_12 : memref<4096xf32, #tpu.memory_space<vmem>>[vector<16xi32>], vector<16xf32>, vector<16xi1>
        tpu.vector_store_idx %arg10[%broadcast_in_dim3A_37], %gather3A_36 masked %eq3A_12 : memref<4096xf32, #tpu.memory_space<vmem>>[vector<16xi32>], vector<16xf32>, vector<16xi1>
        %broadcast_in_dim3A_38 = arith.constant -1.000000e+00 : f32
        %broadcast_in_dim3A_39 = vector.broadcast %broadcast_in_dim3A_38 : f32 to vector<16xf32>
        %broadcast_in_dim3A_40 = arith.constant 0 : i32
        %broadcast_in_dim3A_41 = vector.broadcast %broadcast_in_dim3A_40 : i32 to vector<16xi32>
        %parallel_loop3A = arith.constant 0 : i32
        %parallel_loop3A_42 = arith.constant 4096 : i32
        %parallel_loop3A_43 = arith.constant 16 : i32
        %parallel_loop3A_44:2 = scf.for %parallel_loop3A_59 = %parallel_loop3A to %parallel_loop3A_42 step %parallel_loop3A_43 iter_args(%parallel_loop3A_60 = %broadcast_in_dim3A_39, %parallel_loop3A_61 = %broadcast_in_dim3A_41) -> (vector<16xf32>, vector<16xi32>)  : i32 {
          %parallel_loop3A_62 = arith.index_cast %parallel_loop3A_59 : i32 to index
          %parallel_loop3A_63 = tpu.vector_load %arg4[%parallel_loop3A_62] {strides = array<i32>} : memref<4096xf32, #tpu.memory_space<vmem>>, vector<16xf32>,
          %parallel_loop3A_64 = arith.index_cast %parallel_loop3A_59 : i32 to index
          %parallel_loop3A_65 = tpu.vector_load %arg5[%parallel_loop3A_64] {strides = array<i32>} : memref<4096xf32, #tpu.memory_space<vmem>>, vector<16xf32>,
          %parallel_loop3A_66 = arith.index_cast %parallel_loop3A_59 : i32 to index
          %parallel_loop3A_67 = tpu.vector_load %arg6[%parallel_loop3A_66] {strides = array<i32>} : memref<4096xf32, #tpu.memory_space<vmem>>, vector<16xf32>,
          %parallel_loop3A_68 = arith.subf %parallel_loop3A_63, %gather3A : vector<16xf32>
          %parallel_loop3A_69 = arith.subf %parallel_loop3A_65, %gather3A_35 : vector<16xf32>
          %parallel_loop3A_70 = arith.subf %parallel_loop3A_67, %gather3A_36 : vector<16xf32>
          %parallel_loop3A_71 = arith.mulf %parallel_loop3A_68, %parallel_loop3A_68 : vector<16xf32>
          %parallel_loop3A_72 = arith.mulf %parallel_loop3A_70, %parallel_loop3A_70 : vector<16xf32>
          %parallel_loop3A_73 = arith.addf %parallel_loop3A_71, %parallel_loop3A_72 : vector<16xf32>
          %parallel_loop3A_74 = arith.mulf %parallel_loop3A_69, %parallel_loop3A_69 : vector<16xf32>
          %parallel_loop3A_75 = arith.addf %parallel_loop3A_73, %parallel_loop3A_74 : vector<16xf32>
          %parallel_loop3A_76 = arith.index_cast %parallel_loop3A_59 : i32 to index
          %parallel_loop3A_77 = tpu.vector_load %arg7[%parallel_loop3A_76] {strides = array<i32>} : memref<4096xf32, #tpu.memory_space<vmem>>, vector<16xf32>,
          %parallel_loop3A_78 = arith.minimumf %parallel_loop3A_77, %parallel_loop3A_75 : vector<16xf32>
          %parallel_loop3A_79 = arith.index_cast %parallel_loop3A_59 : i32 to index
          %parallel_loop3A_80 = tpu.vector_load %arg7[%parallel_loop3A_79] {strides = array<i32>} : memref<4096xf32, #tpu.memory_space<vmem>>, vector<16xf32>,
          tpu.vector_store %arg7[%parallel_loop3A_79], %parallel_loop3A_78 {strides = array<i32>} : memref<4096xf32, #tpu.memory_space<vmem>>, vector<16xf32>,
          %parallel_loop3A_81 = vector.broadcast %parallel_loop3A_59 : i32 to vector<16xi32>
          %parallel_loop3A_82 = arith.addi %parallel_loop3A_81, %iota3A : vector<16xi32>
          %parallel_loop3A_83 = arith.cmpf ogt, %parallel_loop3A_78, %parallel_loop3A_60 : vector<16xf32>
          %parallel_loop3A_84 = arith.cmpf oeq, %parallel_loop3A_78, %parallel_loop3A_60 : vector<16xf32>
          %parallel_loop3A_85 = arith.cmpi slt, %parallel_loop3A_82, %parallel_loop3A_61 : vector<16xi32>
          %parallel_loop3A_86 = arith.andi %parallel_loop3A_84, %parallel_loop3A_85 : vector<16xi1>
          %parallel_loop3A_87 = arith.ori %parallel_loop3A_83, %parallel_loop3A_86 : vector<16xi1>
          %parallel_loop3A_88 = arith.select %parallel_loop3A_87, %parallel_loop3A_78, %parallel_loop3A_60 : vector<16xi1>, vector<16xf32>
          %parallel_loop3A_89 = arith.select %parallel_loop3A_87, %parallel_loop3A_82, %parallel_loop3A_61 : vector<16xi1>, vector<16xi32>
          scf.yield %parallel_loop3A_88, %parallel_loop3A_89 : vector<16xf32>, vector<16xi32>
        } {sc.loop_unroll_factor = 16 : i64, sc.parallel_access}
        %reduce_max3A = arith.constant true
        %reduce_max3A_45 = vector.broadcast %reduce_max3A : i1 to vector<16xi1>
        %reduce_max3A_46 = tpu.scan <max>, %parallel_loop3A_44#0 masked %reduce_max3A_45 : vector<16xf32>, vector<16xi1> -> vector<16xf32>
        %reduce_max3A_47 = vector.extract %reduce_max3A_46[15] : f32 from vector<16xf32>
        %eq3A_48 = vector.broadcast %reduce_max3A_47 : f32 to vector<16xf32>
        %eq3A_49 = arith.cmpf oeq, %parallel_loop3A_44#0, %eq3A_48 : vector<16xf32>
        %jit3A = arith.constant 2147483647 : i32
        %broadcast_in_dim3A_50 = vector.broadcast %jit3A : i32 to vector<16xi32>
        %select_n3A = arith.select %eq3A_49, %parallel_loop3A_44#1, %broadcast_in_dim3A_50 : vector<16xi1>, vector<16xi32>
        %reduce_min3A = arith.constant true
        %reduce_min3A_51 = vector.broadcast %reduce_min3A : i1 to vector<16xi1>
        %reduce_min3A_52 = arith.constant -2147483648 : i32
        %reduce_min3A_53 = vector.broadcast %reduce_min3A_52 : i32 to vector<16xi32>
        %reduce_min3A_54 = arith.xori %select_n3A, %reduce_min3A_53 : vector<16xi32>
        %reduce_min3A_55 = tpu.scan <min>, %reduce_min3A_54 masked %reduce_min3A_51 : vector<16xi32>, vector<16xi1> -> vector<16xi32>
        %reduce_min3A_56 = arith.xori %reduce_min3A_55, %reduce_min3A_53 : vector<16xi32>
        %reduce_min3A_57 = vector.extract %reduce_min3A_56[15] : i32 from vector<16xi32>
        %broadcast_in_dim3A_58 = vector.broadcast %reduce_min3A_57 : i32 to vector<16xi32>
        scf.yield %broadcast_in_dim3A_58 : vector<16xi32>
      }
      %scan3A_26 = arith.constant 4096 : i32
      %add3A_27 = arith.constant 0 : i32
      %add3A_28 = arith.addi %mul3A_4, %add3A_27 : i32
      "tpu.region"() ({
        %run_scoped3A = tpu.sem_alloc : memref<!tpu.dma_semaphore, #tpu.memory_space<semaphore_mem>>
        %dma_start3A = tpu.memref_slice %arg3[%add3A_28] : memref<196608xf32, #tpu.memory_space<hbm>> -> memref<4096xf32, #tpu.memory_space<hbm>>
        %dma_start3A_33 = tpu.memref_slice %arg3[%add3A_28] : memref<196608xf32, #tpu.memory_space<hbm>> -> memref<4096xf32, #tpu.memory_space<hbm>>
        tpu.enqueue_dma source(%arg8 : memref<4096xf32, #tpu.memory_space<vmem>>) target(%dma_start3A_33 : memref<4096xf32, #tpu.memory_space<hbm>>) target_semaphore(%run_scoped3A : memref<!tpu.dma_semaphore, #tpu.memory_space<semaphore_mem>>)
        %dma_wait3A = tpu.memref_slice %arg3[%add3A_28] : memref<196608xf32, #tpu.memory_space<hbm>> -> memref<4096xf32, #tpu.memory_space<hbm>>
        %dma_wait3A_34 = tpu.memref_slice %arg3[%add3A_28] : memref<196608xf32, #tpu.memory_space<hbm>> -> memref<4096xf32, #tpu.memory_space<hbm>>
        tpu.wait_dma2 semaphore(%run_scoped3A : memref<!tpu.dma_semaphore, #tpu.memory_space<semaphore_mem>>) src(%arg8 : memref<4096xf32, #tpu.memory_space<vmem>>) dst(%dma_wait3A_34 : memref<4096xf32, #tpu.memory_space<hbm>>)
        tpu.yield
      }) : () -> ()
      %add3A_29 = arith.constant 4096 : i32
      %add3A_30 = arith.addi %mul3A_4, %add3A_29 : i32
      "tpu.region"() ({
        %run_scoped3A = tpu.sem_alloc : memref<!tpu.dma_semaphore, #tpu.memory_space<semaphore_mem>>
        %dma_start3A = tpu.memref_slice %arg3[%add3A_30] : memref<196608xf32, #tpu.memory_space<hbm>> -> memref<4096xf32, #tpu.memory_space<hbm>>
        %dma_start3A_33 = tpu.memref_slice %arg3[%add3A_30] : memref<196608xf32, #tpu.memory_space<hbm>> -> memref<4096xf32, #tpu.memory_space<hbm>>
        tpu.enqueue_dma source(%arg9 : memref<4096xf32, #tpu.memory_space<vmem>>) target(%dma_start3A_33 : memref<4096xf32, #tpu.memory_space<hbm>>) target_semaphore(%run_scoped3A : memref<!tpu.dma_semaphore, #tpu.memory_space<semaphore_mem>>)
        %dma_wait3A = tpu.memref_slice %arg3[%add3A_30] : memref<196608xf32, #tpu.memory_space<hbm>> -> memref<4096xf32, #tpu.memory_space<hbm>>
        %dma_wait3A_34 = tpu.memref_slice %arg3[%add3A_30] : memref<196608xf32, #tpu.memory_space<hbm>> -> memref<4096xf32, #tpu.memory_space<hbm>>
        tpu.wait_dma2 semaphore(%run_scoped3A : memref<!tpu.dma_semaphore, #tpu.memory_space<semaphore_mem>>) src(%arg9 : memref<4096xf32, #tpu.memory_space<vmem>>) dst(%dma_wait3A_34 : memref<4096xf32, #tpu.memory_space<hbm>>)
        tpu.yield
      }) : () -> ()
      %add3A_31 = arith.constant 8192 : i32
      %add3A_32 = arith.addi %mul3A_4, %add3A_31 : i32
      "tpu.region"() ({
        %run_scoped3A = tpu.sem_alloc : memref<!tpu.dma_semaphore, #tpu.memory_space<semaphore_mem>>
        %dma_start3A = tpu.memref_slice %arg3[%add3A_32] : memref<196608xf32, #tpu.memory_space<hbm>> -> memref<4096xf32, #tpu.memory_space<hbm>>
        %dma_start3A_33 = tpu.memref_slice %arg3[%add3A_32] : memref<196608xf32, #tpu.memory_space<hbm>> -> memref<4096xf32, #tpu.memory_space<hbm>>
        tpu.enqueue_dma source(%arg10 : memref<4096xf32, #tpu.memory_space<vmem>>) target(%dma_start3A_33 : memref<4096xf32, #tpu.memory_space<hbm>>) target_semaphore(%run_scoped3A : memref<!tpu.dma_semaphore, #tpu.memory_space<semaphore_mem>>)
        %dma_wait3A = tpu.memref_slice %arg3[%add3A_32] : memref<196608xf32, #tpu.memory_space<hbm>> -> memref<4096xf32, #tpu.memory_space<hbm>>
        %dma_wait3A_34 = tpu.memref_slice %arg3[%add3A_32] : memref<196608xf32, #tpu.memory_space<hbm>> -> memref<4096xf32, #tpu.memory_space<hbm>>
        tpu.wait_dma2 semaphore(%run_scoped3A : memref<!tpu.dma_semaphore, #tpu.memory_space<semaphore_mem>>) src(%arg10 : memref<4096xf32, #tpu.memory_space<vmem>>) dst(%dma_wait3A_34 : memref<4096xf32, #tpu.memory_space<hbm>>)
        tpu.yield
      }) : () -> ()
    } else {
    }
    return
  }
}

</mosaic_0001>

<sc_bundles>
// kernel: fps_sc.3.cloned.1.call-start
scs
__scs_entry_jumppad:
0x0: {  	(pc) =	sbr.rel $0x88, $3  }
0x1: {  	(tag) =	ssettag $0x0;
	lr =	simm.s32 $0x1  }
0x2: {  	[smem:$0x3FA0] =	sst lr;
	_ =	strace $0xD0000000  }
0x3: {  	_ = 	snop  }
0x4: {  	_ = 	snop  }
0x5: {  	_ = 	snop  }
0x6: {  	_ = 	snop  }
0x7: {  	_ = 	snop  }
__scs_overlays_trampoline_lowered:
0x8: {  	[smem:$0x3FAF] =	sst s0  }
0x9: {  	[smem:$0x3FB0] =	sst s1  }
0xa: {  	[smem:$0x3FB1] =	sst s2  }
0xb: {  	[smem:$0x3FB2] =	sst s3  }
0xc: {  	[smem:$0x3FB3] =	sst s4  }
0xd: {  	[smem:$0x3FB4] =	sst s5  }
0xe: {  	[smem:$0x3FB5] =	sst s6  }
0xf: {  	[smem:$0x3FB6] =	sst s7  }
0x10: {  	[smem:$0x3FB7] =	sst s8  }
0x11: {  	[smem:$0x3FB8] =	sst s9;
	s0 =	simm.s32 @!p0 $0x0  }
0x12: {  	s1 =	sld [smem:$0x3F9E];
	s0 =	simm.s32 @p0 $0x1  }
0x13: {  	[smem:$0x3FB9] =	sst s0;
	s0 =	simm.s32 @!p1 $0x0  }
0x14: {  	s2 =	sld [smem:$0x3F9D];
	s0 =	simm.s32 @p1 $0x1  }
0x15: {  	[smem:$0x3FBA] =	sst s0;
	s0 =	simm.s32 @!p2 $0x0  }
0x16: {  	s3 =	sld [smem:$0x3FDB];
	s0 =	simm.s32 @p2 $0x1  }
0x17: {  	s4 =	simm.s32 $0x1BF5;
	[smem:$0x3FBC] =	sst s0  }
0x18: {  	s0 =	sld [smem:$0x3F9F];
	_ =	swait.ge [sflag:s4], $0x0  }
0x19: {  	s7 =	sld [smem:$0x3FA0]  }
0x1a: {  	s8 =	sadd.s32 $0xFFFFE003, lr  }
0x1b: {  	s9 =	sadd.s32 $0xFFFFFEF7, lr;
	s5 =	simm.s32 $0xFFFFFFFF;
	p2 =	slt.u32 s8, $0xFFFFF086  }
0x1c: {  	p1 =	slt.u32 s9, $0xF7A;
	s5 =	simm.s32 @!p2 $0x0  }
0x1d: {  	s5 =	simm.s32 @p1 $0x1;
	p0 =	seq.s32 s7, s2  }
0x1e: {  	s7 =	smul.u32 @!p0 $0xF7A, s2;
	p2 =	seq.s32 @!p0 s5, $0x0  }
0x1f: {  	s9 =	smul.u32 $0xF7A, s1;
	s8 =	simm.s32 @!p0 $0x1BF5;
	p2 =	por !p2, p0  }
0x20: {  	[sflag:s8] =	ssyncset.s32 @!p0 $0xFFFFF086;
	s6 =	sadd.s32 @!p0 s3, s7;
	s7 =	simm.s32 @!p0 $0x108  }
0x21: {  	s3 =	sadd.s32 s3, s9;
	s6 =	sadd.s32 @!p0 $0x88, s6;
	s7 =	simm.s32 @p2 $0x1082  }
0x22: {  	[simem:s7], [sflag:s8] =	dma.local @!p0 [hbm:s6], $0xF7A  }
0x23: {  	s9 =	sor.u32 $0xD0000000, s2;
	s6 =	simm.s32 $0x108;
	_ =	swait.ge @!p0 [sflag:s8], $0x0  }
0x24: {  	s3 =	sadd.s32 $0x88, s3;
	s6 =	simm.s32 @!p1 $0x1082;
	[sflag:s4] =	ssyncset.s32 $0xFFFFF086  }
0x25: {  	[simem:s6], [sflag:s4] =	dma.local [hbm:s3], $0xF7A  }
0x26: {  	[smem:$0x3FA0] =	sst s1;
	(tag) =	ssettag s2;
	_ =	strace s9  }
0x27: {  	s1 =	sld [smem:$0x3FB0]  }
0x28: {  	s2 =	sld [smem:$0x3FB1]  }
0x29: {  	s4 =	sld [smem:$0x3FB3]  }
0x2a: {  	p0 =	seq.s32 s5, $0x0;
	s5 =	sld [smem:$0x3FB4]  }
0x2b: {  	s6 =	sld [smem:$0x3FB5]  }
0x2c: {  	s7 =	sld [smem:$0x3FB6]  }
0x2d: {  	s3 =	simm.s32 $0x108;
	s8 =	sld [smem:$0x3FB7]  }
0x2e: {  	s3 =	simm.s32 @!p0 $0x1082;
	s9 =	sld [smem:$0x3FB8]  }
0x2f: {  	lr =	sadd.s32 s0, s3;
	s0 =	sld [smem:$0x3FAF]  }
0x30: {  	s3 =	sld [smem:$0x3FB2]  }
0x31: {  	[smem:$0x3FBB] =	sst s10  }
0x32: {  	s10 =	sld [smem:$0x3FB9];
	_ =	sdelay $0x3  }
0x33: {  	p0 =	seq.s32 s10, $0x1;
	s10 =	sld [smem:$0x3FBB];
	_ =	sdelay $0x3  }
0x34: {  	[smem:$0x3FBB] =	sst s10  }
0x35: {  	s10 =	sld [smem:$0x3FBA];
	_ =	sdelay $0x3  }
0x36: {  	p1 =	seq.s32 s10, $0x1;
	s10 =	sld [smem:$0x3FBB];
	_ =	sdelay $0x3  }
0x37: {  	[smem:$0x3FBB] =	sst s10  }
0x38: {  	s10 =	sld [smem:$0x3FBC]  }
0x39: {  	_ = 	snop;
	(pc) =	sbr.ind lr, $3  }
0x3a: {  	_ = 	snop  }
0x3b: {  	_ = 	snop  }
0x3c: {  	p2 =	seq.s32 s10, $0x1;
	s10 =	sld [smem:$0x3FBB]  }
0x3d: {  	_ =	shalt  }
0x3e: {  	_ =	shalt  }
0x3f: {  	_ =	shalt  }
0x40: {  	_ =	shalt  }
0x41: {  	_ =	shalt  }
0x42: {  	_ =	shalt  }
0x43: {  	_ =	shalt  }
0x44: {  	_ =	shalt  }
0x45: {  	_ =	shalt  }
0x46: {  	_ =	shalt  }
0x47: {  	_ =	shalt  }
0x48: {  	_ =	shalt  }
0x49: {  	_ =	shalt  }
0x4a: {  	_ =	shalt  }
0x4b: {  	_ =	shalt  }
0x4c: {  	_ =	shalt  }
0x4d: {  	_ =	shalt  }
0x4e: {  	_ =	shalt  }
0x4f: {  	_ =	shalt  }
0x50: {  	_ =	shalt  }
0x51: {  	_ =	shalt  }
0x52: {  	_ =	shalt  }
0x53: {  	_ =	shalt  }
0x54: {  	_ =	shalt  }
0x55: {  	_ =	shalt  }
0x56: {  	_ =	shalt  }
0x57: {  	_ =	shalt  }
0x58: {  	_ =	shalt  }
0x59: {  	_ =	shalt  }
0x5a: {  	_ =	shalt  }
0x5b: {  	_ =	shalt  }
0x5c: {  	_ =	shalt  }
0x5d: {  	_ =	shalt  }
0x5e: {  	_ =	shalt  }
0x5f: {  	_ =	shalt  }
0x60: {  	_ =	shalt  }
0x61: {  	_ =	shalt  }
0x62: {  	_ =	shalt  }
0x63: {  	_ =	shalt  }
0x64: {  	_ =	shalt  }
0x65: {  	_ =	shalt  }
0x66: {  	_ =	shalt  }
0x67: {  	_ =	shalt  }
0x68: {  	_ =	shalt  }
0x69: {  	_ =	shalt  }
0x6a: {  	_ =	shalt  }
0x6b: {  	_ =	shalt  }
0x6c: {  	_ =	shalt  }
0x6d: {  	_ =	shalt  }
0x6e: {  	_ =	shalt  }
0x6f: {  	_ =	shalt  }
0x70: {  	_ =	shalt  }
0x71: {  	_ =	shalt  }
0x72: {  	_ =	shalt  }
0x73: {  	_ =	shalt  }
0x74: {  	_ =	shalt  }
0x75: {  	_ =	shalt  }
0x76: {  	_ =	shalt  }
0x77: {  	_ =	shalt  }
0x78: {  	_ =	shalt  }
0x79: {  	_ =	shalt  }
0x7a: {  	_ =	shalt  }
0x7b: {  	_ =	shalt  }
0x7c: {  	_ =	shalt  }
0x7d: {  	_ =	shalt  }
0x7e: {  	_ =	shalt  }
0x7f: {  	_ =	shalt  }
0x80: {  	_ =	shalt  }
0x81: {  	_ =	shalt  }
0x82: {  	_ =	shalt  }
0x83: {  	_ =	shalt  }
0x84: {  	_ =	shalt  }
0x85: {  	_ =	shalt  }
0x86: {  	_ =	shalt  }
0x87: {  	_ =	shalt  }
.Lfunc_end0:
.L_simem_size_0:
called_computation_lowered:
.L_overlay_start_0:
0x88: {  	s2 =	sld [smem:$0x3FD9]  }
0x89: {  	s3 =	sld [smem:$0x3FFE];
	_ =	sdelay $0x1  }
0x8a: {  	s1 =	srdreg.scid  }
0x8b: {  	s0 =	sand.u32 $0x1, s1  }
0x8c: {  	s17 =	sshll.u32 s0, $0xA;
	s2 =	sadd.s32 s3, s2  }
0x8d: {  	s2 =	sadd.s32 s2, s17  }
0x8e: {  	[smem:$0x3FC7] =	sst s2  }
0x8f: {  	_ = 	snop  }
0x90: {  	s2 =	sld [smem:$0x3FD0];
	(tm) =	ssettm $0x1  }
0x91: {  	s18 =	sld [smem:$0x3FFB];
	_ =	sdelay $0x3  }
0x92: {  	_ =	strace s18  }
0x93: {  	s3 =	sld [smem:$0x3FFC];
	_ =	sdelay $0x3  }
0x94: {  	_ =	strace s3  }
0x95: {  	s3 =	sld [smem:$0x3FFD];
	_ =	sdelay $0x3  }
0x96: {  	_ =	strace s3  }
0x97: {  	_ =	strace $0x8FFFFFFF  }
0x98: {  	s19 =	sld [smem:$0x3FDB];
	_ =	sdelay $0x1  }
0x99: {  	s4 =	simm.s32 $_scs_section_size  }
0x9a: {  	s5 =	simm.s32 $_size__tile_overlayer_lowered;
	s6 =	simm.s32 $_tile_overlayer_lowered  }
0x9b: {  	s22 =	simm.s32 $0x1BFF;
	s21 =	sshll.u32 s6, $0x1;
	s3 =	sadd.s32 s4, s19  }
0x9c: {  	s7 =	simm.s32 $0x0;
	s20 =	sshll.u32 s5, $0x1;
	s5 =	sadd.s32 s21, s3  }
0x9d: {  	[timem:s7], [sflag:s22] =	dma.local [hbm:s5], s20  }
0x9e: {  	_ =	swait.ge [sflag:s22], s20  }
0x9f: {  	s4 =	ssub.s32 $0x0, s20;
	[sflag:s22] =	ssyncset.done $0x0  }
0xa0: {  	[sflag:s22] =	ssyncadd.s32 s4;
	_ =	sdelay $0x1  }
0xa1: {  	s23 =	simm.s32 $0x1B8B  }
0xa2: {  	_ =	swait.ge [sflag:s23], $0x1  }
0xa3: {  	[sflag:s23] =	ssyncset.done $0x0  }
0xa4: {  	s25 =	simm.s32 $0x1B8E;
	s24 =	sld [smem:$0x3FFE];
	[sflag:s23] =	ssyncadd.s32 $0xFFFFFFFF  }
0xa5: {  	s26 =	simm.s32 $execute0_lowered;
	[smem:$0x3FD2] =	sst s25  }
0xa6: {  	s5 =	sshll.u32 s26, $0x1;
	_ =	strace $0x80000046;
	[dreg:$0x1] =	wrdreg $0xFFFFFFFF  }
0xa7: {  	s28 =	simm.s32 $_size_execute0_lowered;
	s3 =	sadd.s32 s3, s5;
	[dreg:$0x0] =	wrdreg $0x0  }
0xa8: {  	s5 =	sshll.u32 s28, $0x1;
	[dreg:$0x2] =	wrdreg s3  }
0xa9: {  	[dreg:$0x3] =	wrdreg s5  }
0xaa: {  	[dreg:$0x4] =	wrdreg $0xC0  }
0xab: {  	_ =	task [dreg:s7], $0x5FFFF  }
0xac: {  	[dreg:$0x1] =	wrdreg $0xFFFFFFFF  }
0xad: {  	[dreg:$0x0] =	wrdreg $0x60  }
0xae: {  	[dreg:$0x2] =	wrdreg s2  }
0xaf: {  	[dreg:$0x3] =	wrdreg s24  }
0xb0: {  	[dreg:$0x4] =	wrdreg $0x9  }
0xb1: {  	_ =	task.clear_ibuf [dreg:s7], $0x5FFFF;
	_ =	strace $0x90000046  }
0xb2: {  	s29 =	simm.s32 $0x9;
	_ =	strace $0x80000048  }
0xb3: {  	_ =	swait.ge [sflag:s29], $0x1  }
0xb4: {  	[sflag:s29] =	ssyncadd.s32 $0xFFFFFFFF  }
0xb5: {  	_ =	strace $0x90000048  }
0xb6: {  	_ =	sfence  }
0xb7: {  	s30 =	sld [smem:$0x0];
	_ =	sdelay $0x2  }
0xb8: {  	s31 =	sshll.u32 s1, $0xD;
	s1 =	sshrl.u32 s1, $0x2  }
0xb9: {  	s3 =	sand.u32 $0x4000, s31;
	s1 =	sadd.s32 s1, s30  }
0xba: {  	s0 =	sor.u32 s3, s0;
	s1 =	sshll.u32 s1, $0x11  }
0xbb: {  	s0 =	sor.u32 s1, s0  }
0xbc: {  	s0 =	sadd.s32 $0x8F2B, s0  }
0xbd: {  	[sflag:s0] =	ssyncadd.remote.s32 $0x1  }
0xbe: {  	_ =	sfence.sel $0xFFFF  }
0xbf: {  	[dreg:$0x0] =	wrdreg $0xFFFFFFFF;
	(pc) =	sbr.abs _section_cstart, $3  }
0xc0: {  	[dreg:$0x1] =	wrdreg $0xFFFFFFFF  }
0xc1: {  	_ =	task.clear_ibuf [dreg:s7], $0x2FFFF;
	_ =	strace $0x9FFFFFFF  }
0xc2: {  	(tm) =	ssettm $0x7FFFFFFF  }
0xc3: {  	_ =	shalt  }
tec
execute0_lowered:
.L_overlay_start_1:
0x0: {  	(tag) =	ssettag $0x1  }
0x1: {  	s1 =	stileid.u32  }
0x2: {  	p0 =	sgt.u32 s1, $0x7  }
.Ltmp0:
0x3: {  	_ = 	snop;
	(pc) =	sbr.rel @p0 .LBB2_9-.Ltmp0, $4  }
0x4: {  	s8 =	rddreg [dreg:$0x0]  }
0x5: {  	s3 =	rddreg [dreg:$0x1];
	s2 =	simm.s32 $0x0  }
0x6: {  	[smem:$0x7FF] =	sst s2  }
0x7: {  	s0 =	rddreg [dreg:$0x2];
	_ =	strace $0x80000047  }
0x8: {  	s4 =	srdreg.scid  }
0x9: {  	s4 =	sand.u32 $0x1, s4  }
0xa: {  	s5 =	sshll.u32 s4, $0x3  }
0xb: {  	s7 =	sadd.s32 $0x400, s3;
	s5 =	sadd.s32 s1, s5  }
0xc: {  	s13 =	simm.s32 $0x4000;
	s11 =	ssub.s32 $0x2, s4;
	s5 =	smul.u32 $0x3000, s5  }
0xd: {  	s14 =	simm.s32 $0x5000;
	s15 =	simm.s32 $0x6000;
	s12 =	sshrl.u32 s11, $0x1  }
0xe: {  	s16 =	simm.s32 $0x0;
	s31 =	ssub.s32 s11, s12;
	s9 =	sshrl.u32 s5, $0x3  }
0xf: {  	s11 =	simm.s32 $0x1000;
	s12 =	simm.s32 $0x2000;
	s6 =	sadd.s32 $0x200, s9  }
0x10: {  	s10 =	sadd.s32 $0x400, s9;
	s5 =	sadd.s32 s7, s9;
	s3 =	sadd.s32 s8, s6  }
0x11: {  	s4 =	sadd.s32 s8, s10;
	s6 =	sadd.s32 s7, s6;
	s7 =	sadd.s32 s7, s10  }
0x12: {  	v0 =	vimm.f32 $1.000000000e+10;
	v1 =	vlaneseq.u32;
	v2 =	vimm.s32 $0x0;
	s8 =	sadd.s32 s8, s9;
	s9 =	smax.u32 s31, $0x1;
	s10 =	simm.s32 $0x1  }
.LBB2_2:
0x13: {  	[tilespmem:s2], [sflag:$0x1] =	stream.linear.gather [hbm4b:s8+s2], $0x1000, $0x38;
	[tilespmem:$0x7000] =	vst v63  }
0x14: {  	_ =	swait.ge [sflag:s10], $0x1000  }
0x15: {  	[sflag:s10] =	ssyncset.done $0x0  }
0x16: {  	[sflag:s10] =	ssyncadd.s32 $0xFFFFF000  }
0x17: {  	[tilespmem:s11], [sflag:$0x1] =	stream.linear.gather [hbm4b:s3+s2], $0x1000, $0x38;
	[tilespmem:$0x7000] =	vst v63  }
0x18: {  	_ =	swait.ge [sflag:s10], $0x1000  }
0x19: {  	[sflag:s10] =	ssyncset.done $0x0  }
0x1a: {  	[sflag:s10] =	ssyncadd.s32 $0xFFFFF000  }
0x1b: {  	[tilespmem:s12], [sflag:$0x1] =	stream.linear.gather [hbm4b:s4+s2], $0x1000, $0x38;
	[tilespmem:$0x7000] =	vst v63  }
0x1c: {  	_ =	swait.ge [sflag:s10], $0x1000  }
0x1d: {  	[sflag:s10] =	ssyncset.done $0x0  }
0x1e: {  	s17 =	simm.s32 $0x3040;
	[sflag:s10] =	ssyncadd.s32 $0xFFFFF000  }
0x1f: {  	[tilespmem:s17+$0xFFFFFFC0] =	vst v0  }
0x20: {  	[tilespmem:s17+$0x30] =	vst v0  }
0x21: {  	[tilespmem:s17+$0x20] =	vst v0  }
0x22: {  	[tilespmem:s17+$0x10] =	vst v0  }
0x23: {  	[tilespmem:s17+$0x0] =	vst v0  }
0x24: {  	[tilespmem:s17+$0xFFFFFFF0] =	vst v0  }
0x25: {  	s18 =	simm.s32 $0x0;
	[tilespmem:s17+$0xFFFFFFE0] =	vst v0  }
.LBB2_3:
0x26: {  	s18 =	sadd.s32 $0x8, s18;
	[tilespmem:s17+$0xFFFFFFD0] =	vst v0;
	s17 =	sadd.s32 $0x80, s17  }
0x27: {  	[tilespmem:s17+$0xFFFFFFC0] =	vst v0;
	p0 =	slt.u32 s18, $0xF8  }
0x28: {  	[tilespmem:s17+$0x30] =	vst v0  }
.Ltmp1:
0x29: {  	[tilespmem:s17+$0x20] =	vst v0;
	(pc) =	sbr.rel @p0 .LBB2_3-.Ltmp1, $4  }
0x2a: {  	[tilespmem:s17+$0x10] =	vst v0  }
0x2b: {  	[tilespmem:s17+$0x0] =	vst v0  }
0x2c: {  	[tilespmem:s17+$0xFFFFFFF0] =	vst v0  }
0x2d: {  	[tilespmem:s17+$0xFFFFFFE0] =	vst v0  }
0x2e: {  	[tilespmem:s17+$0xFFFFFFD0] =	vst v0;
	s17 =	simm.s32 $0x0;
	v4 =	vimm.s32 $0x0;
	s18 =	simm.s32 $0x0  }
.LBB2_5:
0x2f: {  	_ =	sdelay $0x3  }
0x30: {  	v5 =	vld.idx.msk [tilespmem:v4+s17+$0x0], $0xffff;
	v7 =	vmov s18  }
0x31: {  	v3 =	vld.idx.msk [tilespmem:v4+s11+$0x0], $0xffff  }
0x32: {  	v6 =	vld.idx.msk [tilespmem:v4+s12+$0x0], $0xffff;
	_ =	sdelay $0x2  }
0x33: {  	[tilespmem:v7+s13+$0x0] =	vst.idx.msk $0x1, v5  }
0x34: {  	[tilespmem:v7+s14+$0x0] =	vst.idx.msk $0x1, v3  }
0x35: {  	s21 =	simm.s32 $0x80;
	[tilespmem:v7+s15+$0x0] =	vst.idx.msk $0x1, v6  }
0x36: {  	v4 =	vld [tilespmem:s21+$0x40]  }
0x37: {  	s22 =	simm.s32 $0x2080;
	v7 =	vld [tilespmem:s21+$0x70]  }
0x38: {  	v8 =	vld [tilespmem:s22+$0x70]  }
0x39: {  	s19 =	simm.s32 $0x1080;
	v9 =	vld [tilespmem:s22+$0x60]  }
0x3a: {  	v10 =	vld [tilespmem:s19+$0x70]  }
0x3b: {  	v11 =	vld [tilespmem:s21+$0x60]  }
0x3c: {  	v12 =	vld [tilespmem:s21+$0xFFFFFF80]  }
0x3d: {  	s20 =	simm.s32 $0x3080;
	v13 =	vld [tilespmem:s22+$0xFFFFFF80]  }
0x3e: {  	v14 =	vld [tilespmem:s20+$0x70]  }
0x3f: {  	v16 =	vld [tilespmem:s19+$0xFFFFFF80]  }
0x40: {  	v22 =	vld [tilespmem:s21+$0xFFFFFFA0];
	v7 =	vsub.f32 v7, v5;
	v8 =	vsub.f32 v8, v6  }
0x41: {  	v27 =	vld [tilespmem:s21+$0x0];
	v10 =	vsub.f32 v10, v3  }
0x42: {  	v17 =	vld [tilespmem:s21+$0xFFFFFF90];
	v9 =	vsub.f32 v9, v6;
	v7 =	vmul.f32 v7, v7;
	v15 =	vmul.f32 v8, v8  }
0x43: {  	v11 =	vsub.f32 v11, v5;
	v8 =	vsub.f32 v4, v5;
	v4 =	vld [tilespmem:s22+$0xFFFFFF90]  }
0x44: {  	v19 =	vld [tilespmem:s22+$0xFFFFFFA0];
	v15 =	vadd.f32 v15, v7;
	v7 =	vsub.f32 v12, v5  }
0x45: {  	v20 =	vld [tilespmem:s19+$0xFFFFFF90];
	v16 =	vsub.f32 v16, v3;
	v10 =	vmul.f32 v10, v10;
	v12 =	vsub.f32 v13, v6  }
0x46: {  	v49 =	vld [tilespmem:s19+$0xFFFFFFF0];
	v22 =	vsub.f32 v22, v5;
	v50 =	vsub.f32 v27, v5;
	v21 =	vmul.f32 v7, v7  }
0x47: {  	v12 =	vmul.f32 v12, v12;
	v7 =	vmul.f32 v9, v9;
	v9 =	vadd.f32 v15, v10  }
0x48: {  	v13 =	vmul.f32 v11, v11;
	v15 =	vmul.f32 v16, v16;
	v16 =	vld [tilespmem:s19+$0xFFFFFFA0];
	v11 =	vsub.f32 v4, v6  }
0x49: {  	v10 =	vld [tilespmem:s20+$0xFFFFFF80];
	v12 =	vadd.f32 v12, v21;
	v4 =	vmin.f32 v14, v9;
	v9 =	vsub.f32 v17, v5  }
0x4a: {  	v18 =	vimm.f32 $-1.000000000e+00;
	v17 =	vsub.f32 v19, v6;
	v19 =	vsub.f32 v20, v3  }
0x4b: {  	v14 =	vor.u32 s17, v1;
	v7 =	vadd.f32 v7, v13;
	v13 =	vsub.f32 v49, v3  }
0x4c: {  	v11 =	vmul.f32 v11, v11;
	v12 =	vadd.f32 v12, v15;
	v20 =	vmul.f32 v9, v9  }
0x4d: {  	v21 =	vld [tilespmem:s20+$0xFFFFFF90];
	vm0 =	vlt.s32 v14, v2;
	v17 =	vmul.f32 v17, v17;
	v16 =	vsub.f32 v16, v3  }
0x4e: {  	s23 =	simm.s32 $0x10;
	v15 =	vld [tilespmem:s22+$0xFFFFFFB0];
	v9 =	vmin.f32 v10, v12;
	v10 =	vadd.f32 v11, v20;
	v11 =	vmul.f32 v19, v19  }
0x4f: {  	v12 =	vld [tilespmem:s21+$0xFFFFFFB0];
	v19 =	vmul.f32 v22, v22;
	v20 =	vor.u32 s23, v1;
	vm1 =	veq.f32 v9, v18  }
0x50: {  	vm2 =	vgt.f32 v9, v18;
	vm0 =	vmand vm0, vm1;
	v10 =	vadd.f32 v10, v11  }
0x51: {  	v16 =	vmul.f32 v16, v16;
	v11 =	vld [tilespmem:s19+$0xFFFFFFB0];
	v17 =	vadd.f32 v17, v19;
	vm0 =	vmor vm2, vm0  }
0x52: {  	v19 =	vld [tilespmem:s22+$0xFFFFFFC0];
	v18 =	vsel vm0, v9, v18;
	v14 =	vsel vm0, v14, v2;
	v10 =	vmin.f32 v21, v10  }
0x53: {  	v15 =	vsub.f32 v15, v6;
	v21 =	vld [tilespmem:s20+$0xFFFFFFA0];
	vm0 =	vlt.s32 v20, v14;
	vm1 =	veq.f32 v10, v18  }
0x54: {  	s30 =	simm.s32 $0x20;
	v22 =	vld [tilespmem:s21+$0xFFFFFFC0];
	v12 =	vsub.f32 v12, v5;
	vm2 =	vgt.f32 v10, v18;
	vm0 =	vmand vm0, vm1  }
0x55: {  	v16 =	vadd.f32 v17, v16;
	v17 =	vor.u32 s30, v1;
	vm0 =	vmor vm2, vm0  }
0x56: {  	v15 =	vmul.f32 v15, v15;
	v12 =	vmul.f32 v12, v12;
	v14 =	vsel vm0, v20, v14  }
0x57: {  	v23 =	vsub.f32 v11, v3;
	v20 =	vld [tilespmem:s22+$0xFFFFFFD0];
	v18 =	vsel vm0, v10, v18;
	vm0 =	vlt.s32 v17, v14  }
0x58: {  	v24 =	vld [tilespmem:s20+$0xFFFFFFB0];
	v12 =	vadd.f32 v15, v12;
	v15 =	vsub.f32 v19, v6;
	v11 =	vmin.f32 v21, v16  }
0x59: {  	v16 =	vld [tilespmem:s21+$0xFFFFFFD0];
	v19 =	vsub.f32 v22, v5;
	v21 =	vmul.f32 v23, v23;
	vm1 =	veq.f32 v11, v18  }
0x5a: {  	v22 =	vld [tilespmem:s19+$0xFFFFFFC0];
	vm2 =	vgt.f32 v11, v18;
	v15 =	vmul.f32 v15, v15;
	vm0 =	vmand vm0, vm1  }
0x5b: {  	v23 =	vld [tilespmem:s19+$0xFFFFFFD0];
	v19 =	vmul.f32 v19, v19;
	v12 =	vadd.f32 v12, v21;
	vm0 =	vmor vm2, vm0  }
0x5c: {  	s31 =	simm.s32 $0x30;
	v48 =	vld [tilespmem:s21+$0xFFFFFFF0];
	v20 =	vsub.f32 v20, v6;
	v18 =	vsel vm0, v11, v18;
	v14 =	vsel vm0, v17, v14  }
0x5d: {  	v21 =	vld [tilespmem:s21+$0xFFFFFFE0];
	v12 =	vmin.f32 v24, v12;
	v17 =	vor.u32 s31, v1;
	v15 =	vadd.f32 v15, v19  }
0x5e: {  	v47 =	vld [tilespmem:s22+$0xFFFFFFE0];
	v16 =	vsub.f32 v16, v5;
	vm0 =	veq.f32 v12, v18;
	vm1 =	vlt.s32 v17, v14  }
0x5f: {  	v25 =	vld [tilespmem:s20+$0xFFFFFFC0];
	vm2 =	vgt.f32 v12, v18;
	v22 =	vsub.f32 v22, v3;
	vm0 =	vmand vm1, vm0  }
0x60: {  	v19 =	vld [tilespmem:s19+$0xFFFFFFE0];
	v23 =	vsub.f32 v23, v3;
	v20 =	vmul.f32 v20, v20;
	vm0 =	vmor vm2, vm0  }
0x61: {  	v16 =	vmul.f32 v16, v16;
	v14 =	vsel vm0, v17, v14;
	v17 =	vmul.f32 v22, v22  }
0x62: {  	v24 =	vsub.f32 v48, v5;
	v21 =	vsub.f32 v21, v5;
	v18 =	vsel vm0, v12, v18  }
0x63: {  	s24 =	simm.s32 $0x40;
	v22 =	vld [tilespmem:s22+$0xFFFFFFF0];
	v16 =	vadd.f32 v20, v16;
	v20 =	vmul.f32 v23, v23;
	v15 =	vadd.f32 v15, v17  }
0x64: {  	v23 =	vor.u32 s24, v1;
	v21 =	vmul.f32 v21, v21;
	v17 =	vsub.f32 v47, v6  }
0x65: {  	v19 =	vsub.f32 v19, v3;
	v16 =	vadd.f32 v16, v20;
	v20 =	vld [tilespmem:s20+$0xFFFFFFD0];
	v15 =	vmin.f32 v25, v15  }
0x66: {  	vm0 =	vlt.s32 v23, v14;
	v17 =	vmul.f32 v17, v17;
	vm2 =	veq.f32 v15, v18  }
0x67: {  	v19 =	vmul.f32 v19, v19;
	vm1 =	vgt.f32 v15, v18;
	vm0 =	vmand vm0, vm2  }
0x68: {  	s25 =	simm.s32 $0x50;
	v26 =	vld [tilespmem:s22+$0x0];
	v17 =	vadd.f32 v17, v21;
	v21 =	vsub.f32 v22, v6;
	vm0 =	vmor vm1, vm0  }
0x69: {  	v22 =	vld [tilespmem:s20+$0xFFFFFFE0];
	v18 =	vsel vm0, v15, v18;
	v14 =	vsel vm0, v23, v14;
	v23 =	vor.u32 s25, v1  }
0x6a: {  	v16 =	vmin.f32 v20, v16;
	v17 =	vadd.f32 v17, v19;
	v19 =	vmul.f32 v21, v21  }
0x6b: {  	v51 =	vld [tilespmem:s22+$0x10];
	v20 =	vmul.f32 v24, v24;
	vm0 =	veq.f32 v16, v18;
	vm1 =	vlt.s32 v23, v14  }
0x6c: {  	v13 =	vmul.f32 v13, v13;
	v21 =	vld [tilespmem:s19+$0x0];
	vm0 =	vmand vm1, vm0;
	vm1 =	vgt.f32 v16, v18  }
0x6d: {  	v24 =	vmul.f32 v50, v50;
	v19 =	vadd.f32 v19, v20;
	v20 =	vld [tilespmem:s20+$0xFFFFFFF0];
	vm0 =	vmor vm1, vm0  }
0x6e: {  	s26 =	simm.s32 $0x60;
	v17 =	vmin.f32 v22, v17;
	v22 =	vsub.f32 v26, v6;
	v18 =	vsel vm0, v16, v18  }
0x6f: {  	v14 =	vsel vm0, v23, v14;
	v23 =	vor.u32 s26, v1;
	v13 =	vadd.f32 v19, v13  }
0x70: {  	v52 =	vld [tilespmem:s19+$0x10];
	v22 =	vmul.f32 v22, v22;
	vm0 =	veq.f32 v17, v18;
	vm1 =	vlt.s32 v23, v14  }
0x71: {  	v19 =	vld [tilespmem:s21+$0x10];
	vm2 =	vgt.f32 v17, v18;
	v21 =	vsub.f32 v21, v3;
	vm0 =	vmand vm1, vm0  }
0x72: {  	v55 =	vld [tilespmem:s21+$0x20];
	v53 =	vsub.f32 v51, v6;
	v20 =	vmin.f32 v20, v13;
	vm0 =	vmor vm2, vm0  }
0x73: {  	s28 =	simm.s32 $0x70;
	v13 =	vadd.f32 v22, v24;
	v22 =	vld [tilespmem:s20+$0x0];
	v21 =	vmul.f32 v21, v21;
	v18 =	vsel vm0, v17, v18  }
0x74: {  	v14 =	vsel vm0, v23, v14;
	v23 =	vor.u32 s28, v1;
	vm0 =	vgt.f32 v20, v18  }
0x75: {  	vm1 =	veq.f32 v20, v18;
	vm2 =	vlt.s32 v23, v14;
	v13 =	vadd.f32 v13, v21  }
0x76: {  	v58 =	vld [tilespmem:s21+$0x30];
	v21 =	vsub.f32 v52, v3;
	v19 =	vsub.f32 v19, v5;
	vm1 =	vmand vm2, vm1  }
0x77: {  	v54 =	vld [tilespmem:s22+$0x20];
	v57 =	vsub.f32 v55, v5;
	v24 =	vmul.f32 v53, v53;
	vm0 =	vmor vm0, vm1  }
0x78: {  	s29 =	simm.s32 $0x80;
	v21 =	vmul.f32 v21, v21;
	v19 =	vmul.f32 v19, v19;
	v22 =	vmin.f32 v22, v13  }
0x79: {  	v13 =	vld [tilespmem:s20+$0x10];
	v18 =	vsel vm0, v20, v18;
	v14 =	vsel vm0, v23, v14;
	v23 =	vor.u32 s29, v1  }
0x7a: {  	v56 =	vld [tilespmem:s19+$0x20];
	vm1 =	veq.f32 v22, v18;
	v19 =	vadd.f32 v24, v19;
	vm2 =	vlt.s32 v23, v14  }
0x7b: {  	v28 =	vld [tilespmem:s22+$0x30];
	v60 =	vsub.f32 v58, v5;
	vm0 =	vgt.f32 v22, v18;
	vm1 =	vmand vm2, vm1  }
0x7c: {  	[tilespmem:s20+$0xFFFFFF80] =	vst v9;
	s30 =	simm.s32 $0x90;
	v25 =	vsub.f32 v54, v6;
	v19 =	vadd.f32 v19, v21;
	vm0 =	vmor vm0, vm1  }
0x7d: {  	v9 =	vor.u32 s30, v1;
	[tilespmem:s20+$0xFFFFFFA0] =	vst v11;
	v11 =	vld [tilespmem:s19+$0x60];
	v21 =	vmul.f32 v8, v8;
	v8 =	vsel vm0, v23, v14  }
0x7e: {  	v14 =	vmul.f32 v57, v57;
	v23 =	vmul.f32 v25, v25;
	v59 =	vmin.f32 v13, v19;
	v13 =	vld [tilespmem:s19+$0x30]  }
0x7f: {  	[tilespmem:s20+$0xFFFFFF90] =	vst v10;
	v10 =	vsub.f32 v56, v3;
	v18 =	vsel vm0, v22, v18;
	v19 =	vld [tilespmem:s22+$0x40];
	vm1 =	vlt.s32 v9, v8  }
0x80: {  	vm0 =	veq.f32 v59, v18;
	v14 =	vadd.f32 v23, v14;
	v23 =	vsub.f32 v28, v6  }
0x81: {  	v61 =	vld [tilespmem:s20+$0x20];
	v10 =	vmul.f32 v10, v10;
	[tilespmem:s20+$0xFFFFFFB0] =	vst v12;
	vm2 =	vgt.f32 v59, v18;
	vm0 =	vmand vm1, vm0  }
0x82: {  	v63 =	vsub.f32 v11, v3;
	[tilespmem:s20+$0xFFFFFFC0] =	vst v15;
	vm0 =	vmor vm2, vm0;
	v15 =	vmul.f32 v23, v23  }
0x83: {  	[tilespmem:s20+$0xFFFFFFD0] =	vst v16;
	v23 =	vmul.f32 v60, v60;
	v12 =	vsel vm0, v9, v8;
	v9 =	vld [tilespmem:s19+$0x40];
	v62 =	vsub.f32 v13, v3  }
0x84: {  	s31 =	simm.s32 $0xA0;
	[tilespmem:s20+$0xFFFFFFE0] =	vst v17;
	v10 =	vadd.f32 v14, v10;
	v14 =	vld [tilespmem:s20+$0x30];
	v16 =	vsel vm0, v59, v18;
	v17 =	vsub.f32 v19, v6  }
0x85: {  	[tilespmem:s20+$0x70] =	vst v4;
	v8 =	vld [tilespmem:s20+$0x60];
	v13 =	vor.u32 s31, v1;
	v23 =	vadd.f32 v15, v23;
	v18 =	vmul.f32 v62, v62  }
0x86: {  	[tilespmem:s20+$0xFFFFFFF0] =	vst v20;
	v19 =	vmin.f32 v61, v10;
	v15 =	vld [tilespmem:s22+$0x50];
	vm0 =	vlt.s32 v13, v12;
	v10 =	vmul.f32 v17, v17  }
0x87: {  	[tilespmem:s20+$0x0] =	vst v22;
	vm1 =	vgt.f32 v19, v16;
	vm2 =	veq.f32 v19, v16;
	v17 =	vld [tilespmem:s21+$0x50];
	v11 =	vadd.f32 v23, v18  }
0x88: {  	s23 =	simm.s32 $0x100;
	s24 =	simm.s32 $0x2180;
	[tilespmem:s20+$0x10] =	vst v59;
	vm0 =	vmand vm0, vm2;
	v20 =	vsub.f32 v9, v3;
	v18 =	vadd.f32 v10, v21;
	v10 =	vld [tilespmem:s20+$0x40]  }
0x89: {  	s25 =	simm.s32 $0x180;
	s22 =	simm.s32 $0x0;
	[tilespmem:s20+$0x20] =	vst v19;
	s21 =	simm.s32 $0x3080;
	vm0 =	vmor vm1, vm0;
	v9 =	vmul.f32 v63, v63;
	v11 =	vmin.f32 v14, v11;
	v14 =	vld [tilespmem:s19+$0x50]  }
.LBB2_6:
0x8a: {  	v21 =	vld [tilespmem:s25+$0x40];
	v16 =	vsel vm0, v19, v16;
	v12 =	vsel vm0, v13, v12;
	s26 =	sadd.s32 $0xB0, s22;
	v13 =	vmul.f32 v20, v20;
	s20 =	sadd.s32 $0x100, s20;
	s19 =	sadd.s32 $0x100, s19  }
0x8b: {  	p0 =	slt.u32 s23, $0xF00;
	v19 =	vld [tilespmem:s24+$0x60];
	v20 =	vor.u32 s26, v1;
	vm0 =	vgt.f32 v11, v16;
	vm1 =	veq.f32 v11, v16;
	s26 =	smov.u32 s23;
	s23 =	sadd.s32 $0x100, s23  }
0x8c: {  	v15 =	vsub.f32 v15, v6;
	v22 =	vld [tilespmem:s25+$0x70];
	vm2 =	vlt.s32 v20, v12;
	v17 =	vsub.f32 v17, v5  }
0x8d: {  	v7 =	vadd.f32 v7, v9;
	v13 =	vadd.f32 v18, v13;
	v23 =	vld [tilespmem:s24+$0x70];
	vm1 =	vmand vm2, vm1  }
0x8e: {  	v15 =	vmul.f32 v15, v15;
	v9 =	vld [tilespmem:s19+$0x60];
	vm0 =	vmor vm0, vm1;
	v17 =	vmul.f32 v17, v17  }
0x8f: {  	v24 =	vmin.f32 v8, v7;
	v18 =	vsub.f32 v21, v5;
	v21 =	vld [tilespmem:s19+$0x70];
	v16 =	vsel vm0, v11, v16  }
0x90: {  	s28 =	sadd.s32 $0xC0, s22;
	v7 =	vsel vm0, v20, v12;
	v12 =	vmin.f32 v10, v13;
	v13 =	vadd.f32 v15, v17  }
0x91: {  	v8 =	vsub.f32 v14, v3;
	vm0 =	veq.f32 v12, v16;
	v15 =	vsub.f32 v22, v5;
	[tilespmem:s21+$0x40] =	vst v12  }
0x92: {  	v17 =	vor.u32 s28, v1;
	vm1 =	vgt.f32 v12, v16;
	v14 =	vsub.f32 v23, v6;
	v20 =	vld [tilespmem:s21+$0x50]  }
0x93: {  	v10 =	vmul.f32 v18, v18;
	vm2 =	vlt.s32 v17, v7;
	v22 =	vmul.f32 v8, v8;
	v18 =	vld [tilespmem:s25+$0x60]  }
0x94: {  	vm0 =	vmand vm2, vm0;
	v15 =	vmul.f32 v15, v15;
	v8 =	vld [tilespmem:s20+$0x60];
	v14 =	vmul.f32 v14, v14  }
0x95: {  	s28 =	sadd.s32 $0xD0, s22;
	vm0 =	vmor vm1, vm0;
	v13 =	vadd.f32 v13, v22;
	v21 =	vsub.f32 v21, v3  }
0x96: {  	v22 =	vor.u32 s28, v1;
	v17 =	vsel vm0, v17, v7;
	v14 =	vadd.f32 v14, v15;
	v15 =	vld [tilespmem:s20+$0x70]  }
0x97: {  	v7 =	vsub.f32 v19, v6;
	vm1 =	vlt.s32 v22, v17;
	v19 =	vmul.f32 v21, v21  }
0x98: {  	v12 =	vsel vm0, v12, v16;
	v13 =	vmin.f32 v20, v13;
	v18 =	vsub.f32 v18, v5  }
0x99: {  	v7 =	vmul.f32 v7, v7;
	v14 =	vadd.f32 v14, v19;
	vm0 =	veq.f32 v13, v12;
	[tilespmem:s21+$0x50] =	vst v13  }
0x9a: {  	vm2 =	vgt.f32 v13, v12;
	vm0 =	vmand vm1, vm0;
	v16 =	vmul.f32 v18, v18;
	[tilespmem:s21+$0x60] =	vst v24  }
0x9b: {  	s28 =	sadd.s32 $0xE0, s22;
	vm0 =	vmor vm2, vm0;
	v14 =	vmin.f32 v15, v14  }
0x9c: {  	v12 =	vsel vm0, v13, v12;
	v13 =	vsel vm0, v22, v17;
	v7 =	vadd.f32 v7, v16;
	[tilespmem:s20+$0x70] =	vst v14  }
0x9d: {  	vm0 =	vgt.f32 v24, v12;
	vm1 =	veq.f32 v24, v12;
	[tilespmem:s21+$0x30] =	vst v11;
	v11 =	vor.u32 s28, v1;
	s21 =	smov.u32 s20  }
0x9e: {  	vm2 =	vlt.s32 v11, v13  }
0x9f: {  	s28 =	sadd.s32 $0xF0, s22;
	s22 =	smov.u32 s26;
	vm1 =	vmand vm2, vm1  }
0xa0: {  	v15 =	vor.u32 s28, v1;
	vm0 =	vmor vm0, vm1  }
0xa1: {  	v12 =	vsel vm0, v24, v12;
	v11 =	vsel vm0, v11, v13  }
0xa2: {  	v13 =	vld [tilespmem:s25+$0xFFFFFF80];
	vm0 =	vgt.f32 v4, v12;
	vm1 =	veq.f32 v4, v12;
	vm2 =	vlt.s32 v15, v11  }
0xa3: {  	v16 =	vld [tilespmem:s24+$0xFFFFFF80];
	vm1 =	vmand vm2, vm1  }
0xa4: {  	vm0 =	vmor vm0, vm1  }
0xa5: {  	v17 =	vld [tilespmem:s19+$0xFFFFFF80];
	v12 =	vsel vm0, v4, v12;
	v11 =	vsel vm0, v15, v11;
	v4 =	vmov v14  }
0xa6: {  	v14 =	vld [tilespmem:s24+$0xFFFFFF90]  }
0xa7: {  	v13 =	vsub.f32 v13, v5;
	v15 =	vld [tilespmem:s25+$0xFFFFFF90]  }
0xa8: {  	v16 =	vsub.f32 v16, v6;
	v18 =	vld [tilespmem:s24+$0xFFFFFFA0]  }
0xa9: {  	v19 =	vld [tilespmem:s19+$0xFFFFFF90]  }
0xaa: {  	v13 =	vmul.f32 v13, v13;
	v17 =	vsub.f32 v17, v3;
	v16 =	vmul.f32 v16, v16;
	v20 =	vld [tilespmem:s25+$0xFFFFFFA0]  }
0xab: {  	v21 =	vld [tilespmem:s20+$0xFFFFFF80];
	v14 =	vsub.f32 v14, v6  }
0xac: {  	v13 =	vadd.f32 v16, v13;
	v16 =	vmul.f32 v17, v17;
	v15 =	vsub.f32 v15, v5;
	v17 =	vld [tilespmem:s19+$0xFFFFFFA0]  }
0xad: {  	v22 =	vor.u32 s22, v1;
	v14 =	vmul.f32 v14, v14;
	v18 =	vsub.f32 v18, v6;
	v23 =	vld [tilespmem:s24+$0xFFFFFFB0]  }
0xae: {  	v13 =	vadd.f32 v13, v16;
	v16 =	vsub.f32 v19, v3;
	v15 =	vmul.f32 v15, v15;
	v19 =	vld [tilespmem:s25+$0xFFFFFFB0]  }
0xaf: {  	vm0 =	vlt.s32 v22, v11;
	v24 =	vld [tilespmem:s20+$0xFFFFFF90];
	v20 =	vsub.f32 v20, v5;
	v18 =	vmul.f32 v18, v18  }
0xb0: {  	v13 =	vmin.f32 v21, v13;
	v14 =	vadd.f32 v14, v15;
	v15 =	vmul.f32 v16, v16  }
0xb1: {  	[tilespmem:s20+$0xFFFFFF80] =	vst v13;
	vm1 =	veq.f32 v13, v12;
	v16 =	vsub.f32 v17, v3;
	v17 =	vmul.f32 v20, v20  }
0xb2: {  	vm2 =	vgt.f32 v13, v12;
	vm0 =	vmand vm0, vm1;
	v14 =	vadd.f32 v14, v15;
	v15 =	vld [tilespmem:s19+$0xFFFFFFB0]  }
0xb3: {  	s26 =	sadd.s32 $0x10, s22;
	vm0 =	vmor vm2, vm0;
	v17 =	vadd.f32 v18, v17;
	v18 =	vsub.f32 v23, v6;
	v20 =	vld [tilespmem:s24+$0xFFFFFFC0]  }
0xb4: {  	v12 =	vsel vm0, v13, v12;
	v11 =	vsel vm0, v22, v11;
	v13 =	vor.u32 s26, v1;
	v21 =	vld [tilespmem:s25+$0xFFFFFFC0]  }
0xb5: {  	v16 =	vmul.f32 v16, v16;
	v14 =	vmin.f32 v24, v14;
	vm0 =	vlt.s32 v13, v11;
	v22 =	vld [tilespmem:s20+$0xFFFFFFA0]  }
0xb6: {  	v19 =	vsub.f32 v19, v5;
	vm1 =	veq.f32 v14, v12;
	v18 =	vmul.f32 v18, v18;
	[tilespmem:s20+$0xFFFFFF90] =	vst v14  }
0xb7: {  	vm2 =	vgt.f32 v14, v12;
	vm0 =	vmand vm0, vm1;
	v15 =	vsub.f32 v15, v3  }
0xb8: {  	s26 =	sadd.s32 $0x20, s22;
	v16 =	vadd.f32 v17, v16;
	v17 =	vmul.f32 v19, v19;
	vm0 =	vmor vm2, vm0;
	v19 =	vld [tilespmem:s19+$0xFFFFFFC0]  }
0xb9: {  	v12 =	vsel vm0, v14, v12;
	v11 =	vsel vm0, v13, v11;
	v13 =	vor.u32 s26, v1;
	v14 =	vld [tilespmem:s24+$0xFFFFFFD0]  }
0xba: {  	v17 =	vadd.f32 v18, v17;
	v20 =	vsub.f32 v20, v6;
	vm0 =	vlt.s32 v13, v11;
	v18 =	vld [tilespmem:s20+$0xFFFFFFB0]  }
0xbb: {  	v21 =	vsub.f32 v21, v5;
	v16 =	vmin.f32 v22, v16;
	v22 =	vld [tilespmem:s25+$0xFFFFFFD0]  }
0xbc: {  	v15 =	vmul.f32 v15, v15;
	v20 =	vmul.f32 v20, v20;
	vm1 =	veq.f32 v16, v12;
	[tilespmem:s20+$0xFFFFFFA0] =	vst v16  }
0xbd: {  	vm2 =	vgt.f32 v16, v12;
	v21 =	vmul.f32 v21, v21;
	vm0 =	vmand vm0, vm1;
	v23 =	vld [tilespmem:s19+$0xFFFFFFD0]  }
0xbe: {  	v15 =	vadd.f32 v17, v15;
	vm0 =	vmor vm2, vm0;
	v14 =	vsub.f32 v14, v6  }
0xbf: {  	s26 =	sadd.s32 $0x30, s22;
	v12 =	vsel vm0, v16, v12;
	v11 =	vsel vm0, v13, v11;
	v13 =	vadd.f32 v20, v21  }
0xc0: {  	v16 =	vor.u32 s26, v1;
	v15 =	vmin.f32 v18, v15;
	v17 =	vsub.f32 v22, v5;
	v18 =	vld [tilespmem:s24+$0xFFFFFFE0]  }
0xc1: {  	vm1 =	vlt.s32 v16, v11;
	vm0 =	veq.f32 v15, v12;
	v14 =	vmul.f32 v14, v14;
	[tilespmem:s20+$0xFFFFFFB0] =	vst v15;
	v20 =	vld [tilespmem:s25+$0xFFFFFFE0]  }
0xc2: {  	v19 =	vsub.f32 v19, v3;
	vm2 =	vgt.f32 v15, v12;
	vm0 =	vmand vm1, vm0;
	v21 =	vld [tilespmem:s20+$0xFFFFFFC0]  }
0xc3: {  	s26 =	sadd.s32 $0x40, s22;
	vm0 =	vmor vm2, vm0;
	v22 =	vsub.f32 v23, v3;
	v17 =	vmul.f32 v17, v17  }
0xc4: {  	v12 =	vsel vm0, v15, v12;
	v11 =	vsel vm0, v16, v11;
	v15 =	vor.u32 s26, v1  }
0xc5: {  	v16 =	vmul.f32 v19, v19;
	vm0 =	vlt.s32 v15, v11;
	v14 =	vadd.f32 v14, v17;
	v17 =	vld [tilespmem:s19+$0xFFFFFFE0]  }
0xc6: {  	v19 =	vmul.f32 v22, v22;
	v20 =	vsub.f32 v20, v5;
	v22 =	vld [tilespmem:s24+$0xFFFFFFF0]  }
0xc7: {  	v13 =	vadd.f32 v13, v16;
	v16 =	vsub.f32 v18, v6;
	v18 =	vld [tilespmem:s25+$0xFFFFFFF0]  }
0xc8: {  	v14 =	vadd.f32 v14, v19;
	v19 =	vld [tilespmem:s20+$0xFFFFFFD0];
	v20 =	vmul.f32 v20, v20  }
0xc9: {  	v13 =	vmin.f32 v21, v13;
	v16 =	vmul.f32 v16, v16  }
0xca: {  	vm1 =	vgt.f32 v13, v12;
	vm2 =	veq.f32 v13, v12;
	[tilespmem:s20+$0xFFFFFFC0] =	vst v13;
	v17 =	vsub.f32 v17, v3;
	v21 =	vld [tilespmem:s19+$0xFFFFFFF0]  }
0xcb: {  	vm0 =	vmand vm0, vm2;
	v16 =	vadd.f32 v16, v20;
	v20 =	vld [tilespmem:s20+$0xFFFFFFE0];
	v22 =	vsub.f32 v22, v6  }
0xcc: {  	s26 =	sadd.s32 $0x50, s22;
	vm0 =	vmor vm1, vm0;
	v17 =	vmul.f32 v17, v17;
	v18 =	vsub.f32 v18, v5;
	v23 =	vld [tilespmem:s24+$0x0]  }
0xcd: {  	v12 =	vsel vm0, v13, v12;
	v11 =	vsel vm0, v15, v11;
	v13 =	vor.u32 s26, v1;
	v15 =	vld [tilespmem:s25+$0x0]  }
0xce: {  	v14 =	vmin.f32 v19, v14;
	v16 =	vadd.f32 v16, v17;
	v17 =	vmul.f32 v22, v22  }
0xcf: {  	vm1 =	vlt.s32 v13, v11;
	vm0 =	veq.f32 v14, v12;
	v18 =	vmul.f32 v18, v18;
	[tilespmem:s20+$0xFFFFFFD0] =	vst v14;
	v19 =	vld [tilespmem:s19+$0x0]  }
0xd0: {  	vm0 =	vmand vm1, vm0;
	v16 =	vmin.f32 v20, v16;
	v20 =	vsub.f32 v21, v3  }
0xd1: {  	vm1 =	vgt.f32 v14, v12;
	v17 =	vadd.f32 v17, v18;
	[tilespmem:s20+$0xFFFFFFE0] =	vst v16;
	v18 =	vld [tilespmem:s20+$0xFFFFFFF0];
	v21 =	vsub.f32 v23, v6  }
0xd2: {  	s26 =	sadd.s32 $0x60, s22;
	vm0 =	vmor vm1, vm0;
	v20 =	vmul.f32 v20, v20;
	v15 =	vsub.f32 v15, v5;
	v22 =	vld [tilespmem:s24+$0x10]  }
0xd3: {  	v12 =	vsel vm0, v14, v12;
	v11 =	vsel vm0, v13, v11;
	v13 =	vmul.f32 v21, v21;
	v14 =	vld [tilespmem:s25+$0x10]  }
0xd4: {  	vm0 =	vgt.f32 v16, v12;
	v21 =	vor.u32 s26, v1;
	v17 =	vadd.f32 v17, v20  }
0xd5: {  	vm1 =	veq.f32 v16, v12;
	vm2 =	vlt.s32 v21, v11;
	v15 =	vmul.f32 v15, v15;
	v20 =	vld [tilespmem:s19+$0x10]  }
0xd6: {  	vm1 =	vmand vm2, vm1;
	v17 =	vmin.f32 v18, v17;
	v18 =	vsub.f32 v19, v3  }
0xd7: {  	vm0 =	vmor vm0, vm1;
	v13 =	vadd.f32 v13, v15;
	[tilespmem:s20+$0xFFFFFFF0] =	vst v17;
	v15 =	vld [tilespmem:s20+$0x0];
	v19 =	vsub.f32 v22, v6  }
0xd8: {  	s26 =	sadd.s32 $0x70, s22;
	v12 =	vsel vm0, v16, v12;
	v11 =	vsel vm0, v21, v11;
	v16 =	vmul.f32 v18, v18  }
0xd9: {  	v18 =	vor.u32 s26, v1;
	vm0 =	vgt.f32 v17, v12;
	vm1 =	veq.f32 v17, v12;
	v21 =	vld [tilespmem:s24+$0x20]  }
0xda: {  	vm2 =	vlt.s32 v18, v11;
	v13 =	vadd.f32 v13, v16;
	v16 =	vsub.f32 v20, v3;
	v20 =	vld [tilespmem:s25+$0x20]  }
0xdb: {  	v14 =	vsub.f32 v14, v5;
	v19 =	vmul.f32 v19, v19;
	vm1 =	vmand vm2, vm1;
	v22 =	vld [tilespmem:s20+$0x10]  }
0xdc: {  	s26 =	sadd.s32 $0x80, s22;
	vm0 =	vmor vm0, vm1;
	v13 =	vmin.f32 v15, v13;
	v15 =	vmul.f32 v16, v16;
	v16 =	vld [tilespmem:s19+$0x20]  }
0xdd: {  	v14 =	vmul.f32 v14, v14;
	v12 =	vsel vm0, v17, v12;
	v11 =	vsel vm0, v18, v11;
	[tilespmem:s20+$0x0] =	vst v13  }
0xde: {  	v17 =	vor.u32 s26, v1;
	vm0 =	vgt.f32 v13, v12;
	vm1 =	veq.f32 v13, v12;
	v18 =	vld [tilespmem:s24+$0x30]  }
0xdf: {  	v14 =	vadd.f32 v19, v14;
	vm2 =	vlt.s32 v17, v11;
	v19 =	vsub.f32 v20, v5;
	v20 =	vld [tilespmem:s25+$0x30]  }
0xe0: {  	vm1 =	vmand vm2, vm1;
	v21 =	vsub.f32 v21, v6  }
0xe1: {  	s26 =	sadd.s32 $0x90, s22;
	v14 =	vadd.f32 v14, v15;
	vm0 =	vmor vm0, vm1;
	v15 =	vmul.f32 v19, v19  }
0xe2: {  	v11 =	vsel vm0, v17, v11;
	v17 =	vor.u32 s26, v1;
	v19 =	vmul.f32 v21, v21  }
0xe3: {  	v12 =	vsel vm0, v13, v12;
	v13 =	vmin.f32 v22, v14;
	v14 =	vsub.f32 v16, v3;
	v21 =	vld [tilespmem:s19+$0x30]  }
0xe4: {  	vm0 =	veq.f32 v13, v12;
	vm1 =	vlt.s32 v17, v11;
	v15 =	vadd.f32 v19, v15;
	[tilespmem:s20+$0x10] =	vst v13  }
0xe5: {  	vm2 =	vgt.f32 v13, v12;
	vm0 =	vmand vm1, vm0;
	v16 =	vsub.f32 v18, v6;
	v18 =	vld [tilespmem:s24+$0x40]  }
0xe6: {  	vm0 =	vmor vm2, vm0;
	v14 =	vmul.f32 v14, v14;
	v20 =	vsub.f32 v20, v5;
	v19 =	vld [tilespmem:s20+$0x20]  }
0xe7: {  	s26 =	sadd.s32 $0xA0, s22;
	v22 =	vmul.f32 v16, v16  }
0xe8: {  	v16 =	vsel vm0, v13, v12;
	v12 =	vsel vm0, v17, v11;
	v13 =	vor.u32 s26, v1;
	v11 =	vld [tilespmem:s19+$0x40]  }
0xe9: {  	vm0 =	vlt.s32 v13, v12;
	v20 =	vmul.f32 v20, v20;
	v17 =	vsub.f32 v21, v3  }
0xea: {  	v14 =	vadd.f32 v15, v14;
	v21 =	vld [tilespmem:s20+$0x30];
	v15 =	vsub.f32 v18, v6  }
.Ltmp2:
0xeb: {  	v18 =	vadd.f32 v22, v20;
	v17 =	vmul.f32 v17, v17;
	(pc) =	sbr.rel @p0 .LBB2_6-.Ltmp2, $4  }
0xec: {  	v9 =	vsub.f32 v9, v3;
	v19 =	vmin.f32 v19, v14;
	v14 =	vmul.f32 v15, v15;
	v15 =	vld [tilespmem:s24+$0x50]  }
0xed: {  	vm1 =	vgt.f32 v19, v16;
	vm2 =	veq.f32 v19, v16;
	v22 =	vadd.f32 v18, v17;
	[tilespmem:s20+$0x20] =	vst v19;
	v17 =	vld [tilespmem:s25+$0x50]  }
0xee: {  	vm0 =	vmand vm0, vm2;
	v20 =	vsub.f32 v11, v3;
	v18 =	vadd.f32 v14, v10;
	v10 =	vld [tilespmem:s20+$0x40]  }
0xef: {  	v9 =	vmul.f32 v9, v9;
	s24 =	sadd.s32 $0x100, s24;
	s25 =	sadd.s32 $0x100, s25;
	vm0 =	vmor vm1, vm0;
	v11 =	vmin.f32 v21, v22;
	v14 =	vld [tilespmem:s19+$0x50]  }
0xf0: {  	v16 =	vsel vm0, v19, v16;
	v12 =	vsel vm0, v13, v12;
	s19 =	sadd.s32 $0xB0, s22  }
0xf1: {  	v57 =	vmul.f32 v20, v20;
	v58 =	vor.u32 s19, v1;
	vm14 =	veq.f32 v11, v16  }
0xf2: {  	v6 =	vsub.f32 v15, v6;
	vm1 =	vlt.s32 v58, v12;
	v5 =	vsub.f32 v17, v5  }
0xf3: {  	vm2 =	vgt.f32 v11, v16;
	v13 =	vadd.f32 v18, v57;
	vm0 =	vmand vm1, vm14  }
0xf4: {  	v6 =	vmul.f32 v6, v6;
	vm0 =	vmor vm2, vm0;
	v5 =	vmul.f32 v5, v5  }
0xf5: {  	s26 =	sadd.s32 $0xC0, s22;
	v3 =	vsub.f32 v14, v3;
	v10 =	vmin.f32 v10, v13;
	v59 =	vsel vm0, v11, v16  }
0xf6: {  	v60 =	vld [tilespmem:s21+$0x50];
	v12 =	vsel vm0, v58, v12;
	v5 =	vadd.f32 v6, v5;
	v6 =	vor.u32 s26, v1  }
0xf7: {  	vm15 =	veq.f32 v10, v59;
	v3 =	vmul.f32 v3, v3;
	vm4 =	vlt.s32 v6, v12  }
0xf8: {  	vm5 =	vgt.f32 v10, v59;
	vm0 =	vmand vm4, vm15  }
0xf9: {  	v3 =	vadd.f32 v5, v3;
	vm0 =	vmor vm5, vm0  }
0xfa: {  	s28 =	sadd.s32 $0xD0, s22;
	v5 =	vsel vm0, v6, v12  }
0xfb: {  	v6 =	vor.u32 s28, v1;
	v61 =	vsel vm0, v10, v59;
	v3 =	vmin.f32 v60, v3  }
0xfc: {  	v7 =	vadd.f32 v7, v9;
	vm6 =	vlt.s32 v6, v5;
	vm7 =	veq.f32 v3, v61  }
0xfd: {  	vm8 =	vgt.f32 v3, v61;
	vm0 =	vmand vm6, vm7  }
0xfe: {  	s29 =	sadd.s32 $0xE0, s22;
	v7 =	vmin.f32 v8, v7;
	vm0 =	vmor vm8, vm0  }
0xff: {  	v62 =	vsel vm0, v3, v61;
	v5 =	vsel vm0, v6, v5;
	v6 =	vor.u32 s29, v1  }
0x100: {  	vm9 =	veq.f32 v7, v62;
	vm10 =	vlt.s32 v6, v5  }
0x101: {  	vm11 =	vgt.f32 v7, v62;
	vm0 =	vmand vm10, vm9  }
0x102: {  	s30 =	sadd.s32 $0xF0, s22;
	vm0 =	vmor vm11, vm0  }
0x103: {  	v63 =	vor.u32 s30, v1;
	v8 =	vsel vm0, v7, v62;
	v5 =	vsel vm0, v6, v5  }
0x104: {  	vm12 =	veq.f32 v4, v8;
	vm13 =	vlt.s32 v63, v5  }
0x105: {  	vm14 =	vgt.f32 v4, v8;
	vm0 =	vmand vm13, vm12  }
0x106: {  	vm0 =	vmor vm14, vm0  }
0x107: {  	v4 =	vsel vm0, v4, v8  }
0x108: {  	(xrf0) =	vmax.scan.msk.f32 $0xffff, v4;
	_ =	sdelay $0x5  }
0x109: {  	v6, _, _ =	vpop (xrf0)  }
0x10a: {  	v6 =	vbroadcast v6, $0xF  }
0x10b: {  	v5 =	vsel vm0, v63, v5  }
0x10c: {  	vm15 =	veq.f32 v4, v6;
	v4 =	vxor.u32 $0x80000000, v5  }
0x10d: {  	v4 =	vnsel vm15, $0xFFFFFFFF, v4  }
0x10e: {  	(xrf0) =	vmin.scan.msk.u32 $0xffff, v4;
	_ =	sdelay $0x5  }
0x10f: {  	v4, _, _ =	vpop (xrf0)  }
0x110: {  	(v2sf) =	vpush v4, $0xF;
	_ =	sdelay $0xa  }
0x111: {  	s18 =	sadd.s32 $0x1, s18  }
0x112: {  	p0 =	sne.s32 s18, $0x1000  }
.Ltmp3:
0x113: {  	_ = 	snop;
	(pc) =	sbr.rel @p0 .LBB2_5-.Ltmp3, $4  }
0x114: {  	[tilespmem:s21+$0x30] =	vst v11  }
0x115: {  	[tilespmem:s21+$0x60] =	vst v7;
	s31 =	spop (v2sf)  }
0x116: {  	[tilespmem:s21+$0x40] =	vst v10;
	s19 =	sxor.u32 $0x80000000, s31  }
0x117: {  	[tilespmem:s21+$0x50] =	vst v3;
	v4 =	vmov s19  }
0x118: {  	[hbm4b:s5+s2] =	stream.linear.scatter [tilespmem:s13], [sflag:$0x1], $0x1000, $0x38;
	[tilespmem:$0x7000] =	vst v63  }
0x119: {  	_ =	swait.ge [sflag:s10], $0x1000  }
0x11a: {  	[sflag:s10] =	ssyncset.done $0x0  }
0x11b: {  	[sflag:s10] =	ssyncadd.s32 $0xFFFFF000  }
0x11c: {  	[hbm4b:s6+s2] =	stream.linear.scatter [tilespmem:s14], [sflag:$0x1], $0x1000, $0x38;
	[tilespmem:$0x7000] =	vst v63  }
0x11d: {  	s16 =	sadd.s32 $0x1, s16;
	_ =	swait.ge [sflag:s10], $0x1000  }
0x11e: {  	p0 =	sne.s32 s16, s9;
	[sflag:s10] =	ssyncset.done $0x0  }
.Ltmp4:
0x11f: {  	[sflag:s10] =	ssyncadd.s32 $0xFFFFF000;
	(pc) =	sbr.rel @p0 .LBB2_2-.Ltmp4, $4  }
0x120: {  	[hbm4b:s7+s2] =	stream.linear.scatter [tilespmem:s15], [sflag:$0x1], $0x1000, $0x38;
	[tilespmem:$0x7000] =	vst v63  }
0x121: {  	_ =	swait.ge [sflag:s10], $0x1000  }
0x122: {  	[sflag:s10] =	ssyncset.done $0x0  }
0x123: {  	[sflag:s10] =	ssyncadd.s32 $0xFFFFF000  }
.LBB2_9:
0x124: {  	_ =	sfence.sel $0x180000  }
0x125: {  	[bflag:$0x0] =	sbarrier.arrive $0xFFFF  }
0x126: {  	p0 =	sne.s32 s1, $0x0;
	_ =	strace $0x90000047  }
0x127: {  	s0 =	sadd.s32 @!p0 $0x100000, s0;
	[bflag:$0x2] =	sbarrier.arrive $0xFFFF  }
0x128: {  	[sflag:s0] =	ssyncadd.tile.s32 @!p0 $0x1;
	_ =	shalt  }
.Lfunc_end2:
_tile_overlayer_lowered:
.L_overlay_start_2:
0x129: {  	(tag) =	ssettag $0x2  }
0x12a: {  	s0 =	rddreg [dreg:$0x0];
	s2 =	stileid.u32  }
0x12b: {  	s1 =	rddreg [dreg:$0x1];
	p0 =	sne.s32 s2, $0x0  }
0x12c: {  	s3 =	rddreg [dreg:$0x2];
	[bflag:$0x3] =	sbarrier.arrive $0xFFFF;
	s2 =	simm.s32 @!p0 $0x1C01  }
0x12d: {  	[timem:s3], [sflag:s2] =	dma.local @!p0 [hbm:s0], s1  }
0x12e: {  	s0 =	simm.s32 @!p0 $0x1  }
0x12f: {  	_ =	swait.ge @!p0 [sflag:s0], s1  }
0x130: {  	s1 =	ssub.s32 @!p0 $0x0, s1;
	[sflag:s0] =	ssyncset.done @!p0 $0x0  }
0x131: {  	[sflag:s0] =	ssyncadd.s32 @!p0 s1  }
0x132: {  	[bflag:$0x3] =	sbarrier.arrive $0xFFFF  }
0x133: {  	_ =	shalt  }

</sc_bundles>
